<compile_context>
chip_gen: v7x
topology: tpu7x:2x2x1
jax: 0.10.2.dev20260603
libtpu: 0.0.44.dev20260713+nightly
codegen_flags: <defaults>
</compile_context>

<pallas_src>
import functools
import jax
import jax.numpy as jnp
from jax.experimental import pallas as pl

_SUP = 1
_NBR = 20


def _nrm(x, axis):
    n = jnp.linalg.norm(x, axis=axis, keepdims=True)
    return x / jnp.maximum(n, 1e-12)


def _knn_body(vb_ref, vt_ref, q_ref, o_ref, *, k, V):
    vb = vb_ref[0]
    vt = vt_ref[0]
    q = q_ref[0]
    inner = jnp.dot(vb, vt, preferred_element_type=jnp.float32)
    qr = jnp.sum(vb * vb, axis=1, keepdims=True)
    dist = (-2.0 * inner + q) + qr
    BR = vb.shape[0]
    cols = jax.lax.broadcasted_iota(jnp.int32, (BR, V), 1)
    kcols = jax.lax.broadcasted_iota(jnp.int32, (BR, k), 1)
    idx = jnp.zeros((BR, k), jnp.int32)
    for j in range(k + 1):
        m = jnp.min(dist, axis=1, keepdims=True)
        im = jnp.min(jnp.where(dist == m, cols, V), axis=1)
        if j > 0:
            idx = jnp.where(kcols == (j - 1), im[:, None], idx)
        dist = jnp.where(cols == im[:, None], jnp.inf, dist)
    o_ref[0] = idx


def _knn_q(vq, v, k):
    b, R, _ = vq.shape
    V = v.shape[1]
    BR = min(256, R)
    vt = jnp.transpose(v, (0, 2, 1))
    quad = jnp.sum(v * v, axis=2)[:, None, :]
    return pl.pallas_call(
        functools.partial(_knn_body, k=k, V=V),
        grid=(b, R // BR),
        in_specs=[
            pl.BlockSpec((1, BR, 3), lambda bi, ri: (bi, ri, 0)),
            pl.BlockSpec((1, 3, V), lambda bi, ri: (bi, 0, 0)),
            pl.BlockSpec((1, 1, V), lambda bi, ri: (bi, 0, 0)),
        ],
        out_specs=pl.BlockSpec((1, BR, k), lambda bi, ri: (bi, ri, 0)),
        out_shape=jax.ShapeDtypeStruct((b, R, k), jnp.int32),
    )(vq, vt, quad)


def _knn(v, k):
    return _knn_q(v, v, k)


def _take_nbr(tensor, index):
    return jax.vmap(lambda t, i: jnp.take(t, i, axis=0))(tensor, index)


def _nbr_dir_norm(vertices, vq, neighbor_index):
    neighbors = _take_nbr(vertices, neighbor_index)
    direction = neighbors - vq[:, :, None, :]
    return _nrm(direction, axis=-1)


def _surf(ni, v, directions, oc):
    bs, R, n = ni.shape
    nd = _nbr_dir_norm(v, v, ni)
    sd = _nrm(directions, axis=0)
    theta = jax.nn.relu(nd @ sd)
    theta = theta.reshape(bs, R, n, _SUP, oc)
    theta = jnp.max(theta, axis=2)
    return jax.nn.relu(jnp.sum(theta, axis=2))


def _conv(ni, v, fm, w, b, directions, oc):
    bs, R, n = ni.shape
    nd = _nbr_dir_norm(v, v, ni)
    sd = _nrm(directions, axis=0)
    theta = jax.nn.relu(nd @ sd)
    feature_out = fm @ w + b
    feature_center = feature_out[:, :, :oc]
    feature_support = feature_out[:, :, oc:]
    feature_support = _take_nbr(feature_support, ni)
    act = (theta * feature_support).reshape(bs, R, n, _SUP, oc)
    act = jnp.sum(jnp.max(act, axis=2), axis=2)
    return feature_center + act


def _pool(vertices, feature_map, pooling_rate, neighbor_num, key):
    bs, v, _ = vertices.shape
    pool_num = v // pooling_rate
    sample = jax.random.permutation(key, v)[:pool_num]
    vs = vertices[:, sample, :]
    ni = _knn_q(vs, vertices, neighbor_num)
    pooled = jnp.max(_take_nbr(feature_map, ni), axis=2)
    return vs, pooled


def _bn(x):
    mean = jnp.mean(x, axis=(0, 1), keepdims=True)
    var = jnp.var(x, axis=(0, 1), keepdims=True)
    return (x - mean) / jnp.sqrt(var + 1e-5)


def _sa_core(x, qk_w, v_w, v_b, t_w, t_b, bn_w, bn_b):
    x_q = jnp.einsum('oc,bcn->bno', qk_w, x)
    x_k = jnp.einsum('oc,bcn->bon', qk_w, x)
    x_v = jnp.einsum('oc,bcn->bon', v_w, x) + v_b[None, :, None]
    energy = jnp.einsum('bno,bom->bnm', x_q, x_k)
    attention = jax.nn.softmax(energy, axis=-1)
    attention = attention / (1e-9 + jnp.sum(attention, axis=1, keepdims=True))
    x_r = jnp.einsum('bcn,bnm->bcm', x_v, attention)
    x_r = jnp.einsum('oc,bcn->bon', t_w, x - x_r) + t_b[None, :, None]
    mean = jnp.mean(x_r, axis=(0, 2), keepdims=True)
    var = jnp.var(x_r, axis=(0, 2), keepdims=True)
    x_r = (x_r - mean) / jnp.sqrt(var + 1e-5)
    x_r = jax.nn.relu(x_r * bn_w[None, :, None] + bn_b[None, :, None])
    return x + x_r


def _sa(fm, p, i):
    return jnp.transpose(
        _sa_core(jnp.transpose(fm, (0, 2, 1)), p['sa%d_qk' % i],
                 p['sa%d_v' % i], p['sa%d_vb' % i], p['sa%d_t' % i],
                 p['sa%d_tb' % i], p['sa%d_bnw' % i], p['sa%d_bnb' % i]),
        (0, 2, 1))


def _forward(vertices, p):
    v = jnp.transpose(vertices, (0, 2, 1))
    ni = _knn(v, _NBR)
    fm_0 = _surf(ni, v, p['dir0'], 32)
    res1 = fm_0 @ p['d1'].T
    fm_1 = _conv(ni, v, fm_0, p['w1'], p['b1'], p['dir1'], 64)
    fm_1 = jax.nn.relu(_bn(fm_1))
    fm_1 = jax.nn.relu(_sa(fm_1, p, 1) + res1)
    v, fm_1 = _pool(v, fm_1, 4, 4, jax.random.key(1234))
    ni = _knn(v, _NBR)
    res2 = fm_1 @ p['d2'].T
    fm_2 = _conv(ni, v, fm_1, p['w2'], p['b2'], p['dir2'], 128)
    fm_2 = jax.nn.relu(_bn(fm_2))
    fm_2 = jax.nn.relu(_sa(fm_2, p, 2) + res2)
    res3 = fm_2 @ p['d3'].T
    fm_3 = _conv(ni, v, fm_2, p['w3'], p['b3'], p['dir3'], 256)
    fm_3 = jax.nn.relu(_bn(fm_3))
    fm_3 = jax.nn.relu(_sa(fm_3, p, 3) + res3)
    v, fm_3 = _pool(v, fm_3, 4, 4, jax.random.key(5678))
    ni = _knn(v, _NBR)
    res4 = fm_3 @ p['d4'].T
    fm_4 = _conv(ni, v, fm_3, p['w4'], p['b4'], p['dir4'], 1024)
    fm_4 = jax.nn.relu(_bn(fm_4))
    fm_4 = _sa(fm_4, p, 4) + res4
    feat = jnp.max(fm_4, axis=1)
    h = feat @ p['cl_w1'].T + p['cl_b1']
    mean = jnp.mean(h, axis=0, keepdims=True)
    var = jnp.var(h, axis=0, keepdims=True)
    h = (h - mean) / jnp.sqrt(var + 1e-5)
    h = jax.nn.relu(h * p['cl_bnw'] + p['cl_bnb'])
    return h @ p['cl_w2'].T + p['cl_b2']


def kernel(vertices, dir0, w1, b1, dir1, d1, w2, b2, dir2, d2, w3, b3, dir3,
           d3, w4, b4, dir4, d4, sa1_qk, sa1_v, sa1_vb, sa1_t, sa1_tb,
           sa1_bnw, sa1_bnb, sa2_qk, sa2_v, sa2_vb, sa2_t, sa2_tb, sa2_bnw,
           sa2_bnb, sa3_qk, sa3_v, sa3_vb, sa3_t, sa3_tb, sa3_bnw, sa3_bnb,
           sa4_qk, sa4_v, sa4_vb, sa4_t, sa4_tb, sa4_bnw, sa4_bnb, cl_w1,
           cl_b1, cl_bnw, cl_bnb, cl_w2, cl_b2):
    p = {k: val for k, val in locals().items() if k != 'vertices'}
    return _forward(vertices, p)

# --- scband reference (transcript-rebuilt; emitter-appended) ---
"""Pipeline reference for scband-gcn3-d-11948599018347 (READ-ONLY COPY).

The authoritative reference and input builder live on the scoring server;
editing this copy changes nothing except your own understanding.
"""

import jax, jax.numpy as jnp
import numpy as np

SUPPORT_NUM = 1
NEIGHBOR_NUM = 20

def _normalize(x, axis):
    n = jnp.linalg.norm(x, axis=axis, keepdims=True)
    return x / jnp.maximum(n, 1e-12)

def get_neighbor_index(vertices, k):
    inner = jnp.einsum('bvc,bwc->bvw', vertices, vertices)
    quad = jnp.sum(vertices * vertices, axis=2)
    dist = -2.0 * inner + quad[:, None, :] + quad[:, :, None]
    _, idx = jax.lax.top_k(-dist, k + 1)
    return idx[:, :, 1:]

def indexing_neighbor(tensor, index):
    return jax.vmap(lambda t, i: jnp.take(t, i, axis=0))(tensor, index)

def get_neighbor_direction_norm(vertices, neighbor_index):
    neighbors = indexing_neighbor(vertices, neighbor_index)
    direction = neighbors - vertices[:, :, None, :]
    return _normalize(direction, axis=-1)

def conv_surface(neighbor_index, vertices, directions, kernel_num, support_num):
    bs, v, n = neighbor_index.shape
    nd = get_neighbor_direction_norm(vertices, neighbor_index)
    sd = _normalize(directions, axis=0)
    theta = jax.nn.relu(nd @ sd)
    theta = theta.reshape(bs, v, n, support_num, kernel_num)
    theta = jnp.max(theta, axis=2)
    return jnp.sum(theta, axis=2)

def conv_layer(neighbor_index, vertices, feature_map, w, b, directions, out_c, support_num):
    bs, v, n = neighbor_index.shape
    nd = get_neighbor_direction_norm(vertices, neighbor_index)
    sd = _normalize(directions, axis=0)
    theta = jax.nn.relu(nd @ sd)
    feature_out = feature_map @ w + b
    feature_center = feature_out[:, :, :out_c]
    feature_support = feature_out[:, :, out_c:]
    feature_support = indexing_neighbor(feature_support, neighbor_index)
    act = (theta * feature_support).reshape(bs, v, n, support_num, out_c)
    act = jnp.sum(jnp.max(act, axis=2), axis=2)
    return feature_center + act

def pool_layer(vertices, feature_map, pooling_rate, neighbor_num, key):
    bs, v, _ = vertices.shape
    ni = get_neighbor_index(vertices, neighbor_num)
    pooled = jnp.max(indexing_neighbor(feature_map, ni), axis=2)
    pool_num = v // pooling_rate
    sample = jax.random.permutation(key, v)[:pool_num]
    return vertices[:, sample, :], pooled[:, sample, :]

def bn_noaffine(x):
    mean = jnp.mean(x, axis=(0, 1), keepdims=True)
    var = jnp.var(x, axis=(0, 1), keepdims=True)
    return (x - mean) / jnp.sqrt(var + 1e-5)

def sa_layer(x, qk_w, v_w, v_b, t_w, t_b, bn_w, bn_b):
    x_q = jnp.einsum('oc,bcn->bno', qk_w, x)
    x_k = jnp.einsum('oc,bcn->bon', qk_w, x)
    x_v = jnp.einsum('oc,bcn->bon', v_w, x) + v_b[None, :, None]
    energy = jnp.einsum('bno,bom->bnm', x_q, x_k)
    attention = jax.nn.softmax(energy, axis=-1)
    attention = attention / (1e-9 + jnp.sum(attention, axis=1, keepdims=True))
    x_r = jnp.einsum('bcn,bnm->bcm', x_v, attention)
    x_r = jnp.einsum('oc,bcn->bon', t_w, x - x_r) + t_b[None, :, None]
    mean = jnp.mean(x_r, axis=(0, 2), keepdims=True)
    var = jnp.var(x_r, axis=(0, 2), keepdims=True)
    x_r = (x_r - mean) / jnp.sqrt(var + 1e-5)
    x_r = jax.nn.relu(x_r * bn_w[None, :, None] + bn_b[None, :, None])
    return x + x_r

def _sa(fm, p, i):
    return jnp.transpose(sa_layer(jnp.transpose(fm, (0, 2, 1)), p['sa%d_qk' % i], p['sa%d_v' % i], p['sa%d_vb' % i], p['sa%d_t' % i], p['sa%d_tb' % i], p['sa%d_bnw' % i], p['sa%d_bnb' % i]), (0, 2, 1))

def forward(vertices, p):
    v = jnp.transpose(vertices, (0, 2, 1))
    ni = get_neighbor_index(v, NEIGHBOR_NUM)
    fm_0 = jax.nn.relu(conv_surface(ni, v, p['dir0'], 32, SUPPORT_NUM))
    res1 = fm_0 @ p['d1'].T
    fm_1 = conv_layer(ni, v, fm_0, p['w1'], p['b1'], p['dir1'], 64, SUPPORT_NUM)
    fm_1 = jax.nn.relu(bn_noaffine(fm_1))
    fm_1 = jax.nn.relu(_sa(fm_1, p, 1) + res1)
    v, fm_1 = pool_layer(v, fm_1, 4, 4, jax.random.key(1234))
    ni = get_neighbor_index(v, NEIGHBOR_NUM)
    res2 = fm_1 @ p['d2'].T
    fm_2 = conv_layer(ni, v, fm_1, p['w2'], p['b2'], p['dir2'], 128, SUPPORT_NUM)
    fm_2 = jax.nn.relu(bn_noaffine(fm_2))
    fm_2 = jax.nn.relu(_sa(fm_2, p, 2) + res2)
    res3 = fm_2 @ p['d3'].T
    fm_3 = conv_layer(ni, v, fm_2, p['w3'], p['b3'], p['dir3'], 256, SUPPORT_NUM)
    fm_3 = jax.nn.relu(bn_noaffine(fm_3))
    fm_3 = jax.nn.relu(_sa(fm_3, p, 3) + res3)
    v, fm_3 = pool_layer(v, fm_3, 4, 4, jax.random.key(5678))
    ni = get_neighbor_index(v, NEIGHBOR_NUM)
    res4 = fm_3 @ p['d4'].T
    fm_4 = conv_layer(ni, v, fm_3, p['w4'], p['b4'], p['dir4'], 1024, SUPPORT_NUM)
    fm_4 = jax.nn.relu(bn_noaffine(fm_4))
    fm_4 = _sa(fm_4, p, 4) + res4
    feat = jnp.max(fm_4, axis=1)
    h = feat @ p['cl_w1'].T + p['cl_b1']
    mean = jnp.mean(h, axis=0, keepdims=True)
    var = jnp.var(h, axis=0, keepdims=True)
    h = (h - mean) / jnp.sqrt(var + 1e-5)
    h = jax.nn.relu(h * p['cl_bnw'] + p['cl_bnb'])
    return h @ p['cl_w2'].T + p['cl_b2']

def setup_inputs(seed=0):
    key = jax.random.key(seed)
    keys = iter(jax.random.split(key, 80))
    def rn(shape, scale=0.05):
        return jax.random.normal(next(keys), shape, dtype=jnp.float32) * scale
    inp = {}
    inp['vertices'] = jax.random.normal(next(keys), (8, 3, 2048), dtype=jnp.float32)
    inp['dir0'] = rn((3, 32 * SUPPORT_NUM))
    for i, ic, oc in [(1, 32, 64), (2, 64, 128), (3, 128, 256), (4, 256, 1024)]:
        inp['w%d' % i] = rn((ic, (SUPPORT_NUM + 1) * oc))
        inp['b%d' % i] = rn(((SUPPORT_NUM + 1) * oc,))
        inp['dir%d' % i] = rn((3, SUPPORT_NUM * oc))
        inp['d%d' % i] = rn((oc, ic))
    for i, c in [(1, 64), (2, 128), (3, 256), (4, 1024)]:
        inp['sa%d_qk' % i] = rn((c // 4, c))
        inp['sa%d_v' % i] = rn((c, c))
        inp['sa%d_vb' % i] = rn((c,))
        inp['sa%d_t' % i] = rn((c, c))
        inp['sa%d_tb' % i] = rn((c,))
        inp['sa%d_bnw' % i] = jnp.ones((c,), dtype=jnp.float32)
        inp['sa%d_bnb' % i] = jnp.zeros((c,), dtype=jnp.float32)
    inp['cl_w1'] = rn((256, 1024))
    inp['cl_b1'] = rn((256,))
    inp['cl_bnw'] = jnp.ones((256,), dtype=jnp.float32)
    inp['cl_bnb'] = jnp.zeros((256,), dtype=jnp.float32)
    inp['cl_w2'] = rn((40, 256))
    inp['cl_b2'] = rn((40,))
    return inp

def reference(vertices, dir0,
              w1, b1, dir1, d1,
              w2, b2, dir2, d2,
              w3, b3, dir3, d3,
              w4, b4, dir4, d4,
              sa1_qk, sa1_v, sa1_vb, sa1_t, sa1_tb, sa1_bnw, sa1_bnb,
              sa2_qk, sa2_v, sa2_vb, sa2_t, sa2_tb, sa2_bnw, sa2_bnb,
              sa3_qk, sa3_v, sa3_vb, sa3_t, sa3_tb, sa3_bnw, sa3_bnb,
              sa4_qk, sa4_v, sa4_vb, sa4_t, sa4_tb, sa4_bnw, sa4_bnb,
              cl_w1, cl_b1, cl_bnw, cl_bnb, cl_w2, cl_b2):
    p = {k: val for k, val in locals().items() if k != 'vertices'}
    return forward(vertices, p)

if __name__ == "__main__":
    import jax
    _d = setup_inputs()
    print(jax.jit(kernel)(*tuple(_d.values())))

</pallas_src>

<mosaic_0001>
module attributes {stable_mosaic.version = 14 : i64} {
  func.func @_knn_body(%arg0: i32, %arg1: i32, %arg2: memref<1x256x3xf32, #tpu.memory_space<vmem>>, %arg3: memref<1x3x2048xf32, #tpu.memory_space<vmem>>, %arg4: memref<1x1x2048xf32, #tpu.memory_space<vmem>>, %arg5: memref<1x256x20xi32, #tpu.memory_space<vmem>>) attributes {dimension_semantics = [#tpu.dimension_semantics<arbitrary>, #tpu.dimension_semantics<arbitrary>], iteration_bounds = array<i64: 8, 8>, scalar_prefetch = 0 : i64, scratch_operands = 0 : i64, tpu.core_type = #tpu.core_type<tc>, window_params = [{transform_indices = @transform_0, window_bounds = array<i64: 1, 256, 3>}, {transform_indices = @transform_1, window_bounds = array<i64: 1, 3, 2048>}, {transform_indices = @transform_2, window_bounds = array<i64: 1, 1, 2048>}, {transform_indices = @transform_3, window_bounds = array<i64: 1, 256, 20>}]} {
    %get3A = arith.constant 0 : index
    %get3A_0 = arith.constant 0 : index
    %get3A_1 = arith.constant 0 : index
    %get3A_2 = vector.load %arg2[%get3A, %get3A_0, %get3A_1] : memref<1x256x3xf32, #tpu.memory_space<vmem>>, vector<1x256x3xf32>
    %get3A_3 = vector.shape_cast %get3A_2 : vector<1x256x3xf32> to vector<256x3xf32>
    %get3A_4 = arith.constant 0 : index
    %get3A_5 = arith.constant 0 : index
    %get3A_6 = arith.constant 0 : index
    %get3A_7 = vector.load %arg3[%get3A_4, %get3A_5, %get3A_6] : memref<1x3x2048xf32, #tpu.memory_space<vmem>>, vector<1x3x2048xf32>
    %get3A_8 = vector.shape_cast %get3A_7 : vector<1x3x2048xf32> to vector<3x2048xf32>
    %get3A_9 = arith.constant 0 : index
    %get3A_10 = arith.constant 0 : index
    %get3A_11 = arith.constant 0 : index
    %get3A_12 = vector.load %arg4[%get3A_9, %get3A_10, %get3A_11] : memref<1x1x2048xf32, #tpu.memory_space<vmem>>, vector<1x1x2048xf32>
    %get3A_13 = vector.shape_cast %get3A_12 : vector<1x1x2048xf32> to vector<1x2048xf32>
    %dot_general3A = arith.constant dense<0.000000e+00> : vector<256x2048xf32>
    %dot_general3A_14 = tpu.matmul %get3A_3, %get3A_8, %dot_general3A {dimension_numbers = #tpu.dot_dimension_numbers<[1], [0], [0], [1], [0, 0, 1, 1], [], []>, transpose_lhs_hint = false} : vector<256x3xf32>, vector<3x2048xf32>, vector<256x2048xf32> -> vector<256x2048xf32>
    %mul3A = arith.mulf %get3A_3, %get3A_3 : vector<256x3xf32>
    %reduce_sum3A = arith.constant dense<0.000000e+00> : vector<256xf32>
    %reduce_sum3A_15 = vector.multi_reduction <add>, %mul3A, %reduce_sum3A [1] : vector<256x3xf32> to vector<256xf32>
    %broadcast_in_dim3A = vector.shape_cast %reduce_sum3A_15 : vector<256xf32> to vector<256x1xf32>
    %mul3A_16 = arith.constant -2.000000e+00 : f32
    %mul3A_17 = vector.broadcast %mul3A_16 : f32 to vector<256x2048xf32>
    %mul3A_18 = arith.mulf %mul3A_17, %dot_general3A_14 : vector<256x2048xf32>
    %add3A = vector.broadcast %get3A_13 : vector<1x2048xf32> to vector<256x2048xf32>
    %add3A_19 = arith.addf %mul3A_18, %add3A : vector<256x2048xf32>
    %add3A_20 = vector.broadcast %broadcast_in_dim3A : vector<256x1xf32> to vector<256x2048xf32>
    %add3A_21 = arith.addf %add3A_19, %add3A_20 : vector<256x2048xf32>
    %iota3A = tpu.iota {dimensions = array<i32: 1>} : vector<256x2048xi32>
    %iota3A_22 = tpu.iota {dimensions = array<i32: 1>} : vector<256x20xi32>
    %broadcast_in_dim3A_23 = arith.constant 0 : i32
    %broadcast_in_dim3A_24 = vector.broadcast %broadcast_in_dim3A_23 : i32 to vector<256x20xi32>
    %reduce_min3A = arith.constant dense<0x7F800000> : vector<256xf32>
    %reduce_min3A_25 = vector.multi_reduction <minimumf>, %add3A_21, %reduce_min3A [1] : vector<256x2048xf32> to vector<256xf32>
    %broadcast_in_dim3A_26 = vector.shape_cast %reduce_min3A_25 : vector<256xf32> to vector<256x1xf32>
    %eq3A = vector.broadcast %broadcast_in_dim3A_26 : vector<256x1xf32> to vector<256x2048xf32>
    %eq3A_27 = arith.cmpf oeq, %add3A_21, %eq3A : vector<256x2048xf32>
    %jit3A = arith.constant 2048 : i32
    %broadcast_in_dim3A_28 = vector.broadcast %jit3A : i32 to vector<256x2048xi32>
    %select_n3A = arith.select %eq3A_27, %iota3A, %broadcast_in_dim3A_28 : vector<256x2048xi1>, vector<256x2048xi32>
    %reduce_min3A_29 = arith.constant dense<2147483647> : vector<256xi32>
    %reduce_min3A_30 = vector.multi_reduction <minsi>, %select_n3A, %reduce_min3A_29 [1] : vector<256x2048xi32> to vector<256xi32>
    %broadcast_in_dim3A_31 = vector.shape_cast %reduce_min3A_30 : vector<256xi32> to vector<256x1xi32>
    %eq3A_32 = vector.broadcast %broadcast_in_dim3A_31 : vector<256x1xi32> to vector<256x2048xi32>
    %eq3A_33 = arith.cmpi eq, %iota3A, %eq3A_32 : vector<256x2048xi32>
    %jit3A_34 = arith.constant 0x7F800000 : f32
    %broadcast_in_dim3A_35 = vector.broadcast %jit3A_34 : f32 to vector<256x2048xf32>
    %select_n3A_36 = arith.select %eq3A_33, %broadcast_in_dim3A_35, %add3A_21 : vector<256x2048xi1>, vector<256x2048xf32>
    %reduce_min3A_37 = arith.constant dense<0x7F800000> : vector<256xf32>
    %reduce_min3A_38 = vector.multi_reduction <minimumf>, %select_n3A_36, %reduce_min3A_37 [1] : vector<256x2048xf32> to vector<256xf32>
    %broadcast_in_dim3A_39 = vector.shape_cast %reduce_min3A_38 : vector<256xf32> to vector<256x1xf32>
    %eq3A_40 = vector.broadcast %broadcast_in_dim3A_39 : vector<256x1xf32> to vector<256x2048xf32>
    %eq3A_41 = arith.cmpf oeq, %select_n3A_36, %eq3A_40 : vector<256x2048xf32>
    %jit3A_42 = arith.constant 2048 : i32
    %broadcast_in_dim3A_43 = vector.broadcast %jit3A_42 : i32 to vector<256x2048xi32>
    %select_n3A_44 = arith.select %eq3A_41, %iota3A, %broadcast_in_dim3A_43 : vector<256x2048xi1>, vector<256x2048xi32>
    %reduce_min3A_45 = arith.constant dense<2147483647> : vector<256xi32>
    %reduce_min3A_46 = vector.multi_reduction <minsi>, %select_n3A_44, %reduce_min3A_45 [1] : vector<256x2048xi32> to vector<256xi32>
    %eq3A_47 = arith.constant 0 : i32
    %eq3A_48 = vector.broadcast %eq3A_47 : i32 to vector<256x20xi32>
    %eq3A_49 = arith.cmpi eq, %iota3A_22, %eq3A_48 : vector<256x20xi32>
    %broadcast_in_dim3A_50 = vector.shape_cast %reduce_min3A_46 : vector<256xi32> to vector<256x1xi32>
    %broadcast_in_dim3A_51 = vector.shape_cast %broadcast_in_dim3A_50 : vector<256x1xi32> to vector<256x1xi32>
    %broadcast_in_dim3A_52 = vector.broadcast %broadcast_in_dim3A_51 : vector<256x1xi32> to vector<256x20xi32>
    %select_n3A_53 = arith.select %eq3A_49, %broadcast_in_dim3A_52, %broadcast_in_dim3A_24 : vector<256x20xi1>, vector<256x20xi32>
    %broadcast_in_dim3A_54 = vector.shape_cast %reduce_min3A_46 : vector<256xi32> to vector<256x1xi32>
    %eq3A_55 = vector.broadcast %broadcast_in_dim3A_54 : vector<256x1xi32> to vector<256x2048xi32>
    %eq3A_56 = arith.cmpi eq, %iota3A, %eq3A_55 : vector<256x2048xi32>
    %jit3A_57 = arith.constant 0x7F800000 : f32
    %broadcast_in_dim3A_58 = vector.broadcast %jit3A_57 : f32 to vector<256x2048xf32>
    %select_n3A_59 = arith.select %eq3A_56, %broadcast_in_dim3A_58, %select_n3A_36 : vector<256x2048xi1>, vector<256x2048xf32>
    %reduce_min3A_60 = arith.constant dense<0x7F800000> : vector<256xf32>
    %reduce_min3A_61 = vector.multi_reduction <minimumf>, %select_n3A_59, %reduce_min3A_60 [1] : vector<256x2048xf32> to vector<256xf32>
    %broadcast_in_dim3A_62 = vector.shape_cast %reduce_min3A_61 : vector<256xf32> to vector<256x1xf32>
    %eq3A_63 = vector.broadcast %broadcast_in_dim3A_62 : vector<256x1xf32> to vector<256x2048xf32>
    %eq3A_64 = arith.cmpf oeq, %select_n3A_59, %eq3A_63 : vector<256x2048xf32>
    %jit3A_65 = arith.constant 2048 : i32
    %broadcast_in_dim3A_66 = vector.broadcast %jit3A_65 : i32 to vector<256x2048xi32>
    %select_n3A_67 = arith.select %eq3A_64, %iota3A, %broadcast_in_dim3A_66 : vector<256x2048xi1>, vector<256x2048xi32>
    %reduce_min3A_68 = arith.constant dense<2147483647> : vector<256xi32>
    %reduce_min3A_69 = vector.multi_reduction <minsi>, %select_n3A_67, %reduce_min3A_68 [1] : vector<256x2048xi32> to vector<256xi32>
    %eq3A_70 = arith.constant 1 : i32
    %eq3A_71 = vector.broadcast %eq3A_70 : i32 to vector<256x20xi32>
    %eq3A_72 = arith.cmpi eq, %iota3A_22, %eq3A_71 : vector<256x20xi32>
    %broadcast_in_dim3A_73 = vector.shape_cast %reduce_min3A_69 : vector<256xi32> to vector<256x1xi32>
    %broadcast_in_dim3A_74 = vector.shape_cast %broadcast_in_dim3A_73 : vector<256x1xi32> to vector<256x1xi32>
    %broadcast_in_dim3A_75 = vector.broadcast %broadcast_in_dim3A_74 : vector<256x1xi32> to vector<256x20xi32>
    %select_n3A_76 = arith.select %eq3A_72, %broadcast_in_dim3A_75, %select_n3A_53 : vector<256x20xi1>, vector<256x20xi32>
    %broadcast_in_dim3A_77 = vector.shape_cast %reduce_min3A_69 : vector<256xi32> to vector<256x1xi32>
    %eq3A_78 = vector.broadcast %broadcast_in_dim3A_77 : vector<256x1xi32> to vector<256x2048xi32>
    %eq3A_79 = arith.cmpi eq, %iota3A, %eq3A_78 : vector<256x2048xi32>
    %jit3A_80 = arith.constant 0x7F800000 : f32
    %broadcast_in_dim3A_81 = vector.broadcast %jit3A_80 : f32 to vector<256x2048xf32>
    %select_n3A_82 = arith.select %eq3A_79, %broadcast_in_dim3A_81, %select_n3A_59 : vector<256x2048xi1>, vector<256x2048xf32>
    %reduce_min3A_83 = arith.constant dense<0x7F800000> : vector<256xf32>
    %reduce_min3A_84 = vector.multi_reduction <minimumf>, %select_n3A_82, %reduce_min3A_83 [1] : vector<256x2048xf32> to vector<256xf32>
    %broadcast_in_dim3A_85 = vector.shape_cast %reduce_min3A_84 : vector<256xf32> to vector<256x1xf32>
    %eq3A_86 = vector.broadcast %broadcast_in_dim3A_85 : vector<256x1xf32> to vector<256x2048xf32>
    %eq3A_87 = arith.cmpf oeq, %select_n3A_82, %eq3A_86 : vector<256x2048xf32>
    %jit3A_88 = arith.constant 2048 : i32
    %broadcast_in_dim3A_89 = vector.broadcast %jit3A_88 : i32 to vector<256x2048xi32>
    %select_n3A_90 = arith.select %eq3A_87, %iota3A, %broadcast_in_dim3A_89 : vector<256x2048xi1>, vector<256x2048xi32>
    %reduce_min3A_91 = arith.constant dense<2147483647> : vector<256xi32>
    %reduce_min3A_92 = vector.multi_reduction <minsi>, %select_n3A_90, %reduce_min3A_91 [1] : vector<256x2048xi32> to vector<256xi32>
    %eq3A_93 = arith.constant 2 : i32
    %eq3A_94 = vector.broadcast %eq3A_93 : i32 to vector<256x20xi32>
    %eq3A_95 = arith.cmpi eq, %iota3A_22, %eq3A_94 : vector<256x20xi32>
    %broadcast_in_dim3A_96 = vector.shape_cast %reduce_min3A_92 : vector<256xi32> to vector<256x1xi32>
    %broadcast_in_dim3A_97 = vector.shape_cast %broadcast_in_dim3A_96 : vector<256x1xi32> to vector<256x1xi32>
    %broadcast_in_dim3A_98 = vector.broadcast %broadcast_in_dim3A_97 : vector<256x1xi32> to vector<256x20xi32>
    %select_n3A_99 = arith.select %eq3A_95, %broadcast_in_dim3A_98, %select_n3A_76 : vector<256x20xi1>, vector<256x20xi32>
    %broadcast_in_dim3A_100 = vector.shape_cast %reduce_min3A_92 : vector<256xi32> to vector<256x1xi32>
    %eq3A_101 = vector.broadcast %broadcast_in_dim3A_100 : vector<256x1xi32> to vector<256x2048xi32>
    %eq3A_102 = arith.cmpi eq, %iota3A, %eq3A_101 : vector<256x2048xi32>
    %jit3A_103 = arith.constant 0x7F800000 : f32
    %broadcast_in_dim3A_104 = vector.broadcast %jit3A_103 : f32 to vector<256x2048xf32>
    %select_n3A_105 = arith.select %eq3A_102, %broadcast_in_dim3A_104, %select_n3A_82 : vector<256x2048xi1>, vector<256x2048xf32>
    %reduce_min3A_106 = arith.constant dense<0x7F800000> : vector<256xf32>
    %reduce_min3A_107 = vector.multi_reduction <minimumf>, %select_n3A_105, %reduce_min3A_106 [1] : vector<256x2048xf32> to vector<256xf32>
    %broadcast_in_dim3A_108 = vector.shape_cast %reduce_min3A_107 : vector<256xf32> to vector<256x1xf32>
    %eq3A_109 = vector.broadcast %broadcast_in_dim3A_108 : vector<256x1xf32> to vector<256x2048xf32>
    %eq3A_110 = arith.cmpf oeq, %select_n3A_105, %eq3A_109 : vector<256x2048xf32>
    %jit3A_111 = arith.constant 2048 : i32
    %broadcast_in_dim3A_112 = vector.broadcast %jit3A_111 : i32 to vector<256x2048xi32>
    %select_n3A_113 = arith.select %eq3A_110, %iota3A, %broadcast_in_dim3A_112 : vector<256x2048xi1>, vector<256x2048xi32>
    %reduce_min3A_114 = arith.constant dense<2147483647> : vector<256xi32>
    %reduce_min3A_115 = vector.multi_reduction <minsi>, %select_n3A_113, %reduce_min3A_114 [1] : vector<256x2048xi32> to vector<256xi32>
    %eq3A_116 = arith.constant 3 : i32
    %eq3A_117 = vector.broadcast %eq3A_116 : i32 to vector<256x20xi32>
    %eq3A_118 = arith.cmpi eq, %iota3A_22, %eq3A_117 : vector<256x20xi32>
    %broadcast_in_dim3A_119 = vector.shape_cast %reduce_min3A_115 : vector<256xi32> to vector<256x1xi32>
    %broadcast_in_dim3A_120 = vector.shape_cast %broadcast_in_dim3A_119 : vector<256x1xi32> to vector<256x1xi32>
    %broadcast_in_dim3A_121 = vector.broadcast %broadcast_in_dim3A_120 : vector<256x1xi32> to vector<256x20xi32>
    %select_n3A_122 = arith.select %eq3A_118, %broadcast_in_dim3A_121, %select_n3A_99 : vector<256x20xi1>, vector<256x20xi32>
    %broadcast_in_dim3A_123 = vector.shape_cast %reduce_min3A_115 : vector<256xi32> to vector<256x1xi32>
    %eq3A_124 = vector.broadcast %broadcast_in_dim3A_123 : vector<256x1xi32> to vector<256x2048xi32>
    %eq3A_125 = arith.cmpi eq, %iota3A, %eq3A_124 : vector<256x2048xi32>
    %jit3A_126 = arith.constant 0x7F800000 : f32
    %broadcast_in_dim3A_127 = vector.broadcast %jit3A_126 : f32 to vector<256x2048xf32>
    %select_n3A_128 = arith.select %eq3A_125, %broadcast_in_dim3A_127, %select_n3A_105 : vector<256x2048xi1>, vector<256x2048xf32>
    %reduce_min3A_129 = arith.constant dense<0x7F800000> : vector<256xf32>
    %reduce_min3A_130 = vector.multi_reduction <minimumf>, %select_n3A_128, %reduce_min3A_129 [1] : vector<256x2048xf32> to vector<256xf32>
    %broadcast_in_dim3A_131 = vector.shape_cast %reduce_min3A_130 : vector<256xf32> to vector<256x1xf32>
    %eq3A_132 = vector.broadcast %broadcast_in_dim3A_131 : vector<256x1xf32> to vector<256x2048xf32>
    %eq3A_133 = arith.cmpf oeq, %select_n3A_128, %eq3A_132 : vector<256x2048xf32>
    %jit3A_134 = arith.constant 2048 : i32
    %broadcast_in_dim3A_135 = vector.broadcast %jit3A_134 : i32 to vector<256x2048xi32>
    %select_n3A_136 = arith.select %eq3A_133, %iota3A, %broadcast_in_dim3A_135 : vector<256x2048xi1>, vector<256x2048xi32>
    %reduce_min3A_137 = arith.constant dense<2147483647> : vector<256xi32>
    %reduce_min3A_138 = vector.multi_reduction <minsi>, %select_n3A_136, %reduce_min3A_137 [1] : vector<256x2048xi32> to vector<256xi32>
    %eq3A_139 = arith.constant 4 : i32
    %eq3A_140 = vector.broadcast %eq3A_139 : i32 to vector<256x20xi32>
    %eq3A_141 = arith.cmpi eq, %iota3A_22, %eq3A_140 : vector<256x20xi32>
    %broadcast_in_dim3A_142 = vector.shape_cast %reduce_min3A_138 : vector<256xi32> to vector<256x1xi32>
    %broadcast_in_dim3A_143 = vector.shape_cast %broadcast_in_dim3A_142 : vector<256x1xi32> to vector<256x1xi32>
    %broadcast_in_dim3A_144 = vector.broadcast %broadcast_in_dim3A_143 : vector<256x1xi32> to vector<256x20xi32>
    %select_n3A_145 = arith.select %eq3A_141, %broadcast_in_dim3A_144, %select_n3A_122 : vector<256x20xi1>, vector<256x20xi32>
    %broadcast_in_dim3A_146 = vector.shape_cast %reduce_min3A_138 : vector<256xi32> to vector<256x1xi32>
    %eq3A_147 = vector.broadcast %broadcast_in_dim3A_146 : vector<256x1xi32> to vector<256x2048xi32>
    %eq3A_148 = arith.cmpi eq, %iota3A, %eq3A_147 : vector<256x2048xi32>
    %jit3A_149 = arith.constant 0x7F800000 : f32
    %broadcast_in_dim3A_150 = vector.broadcast %jit3A_149 : f32 to vector<256x2048xf32>
    %select_n3A_151 = arith.select %eq3A_148, %broadcast_in_dim3A_150, %select_n3A_128 : vector<256x2048xi1>, vector<256x2048xf32>
    %reduce_min3A_152 = arith.constant dense<0x7F800000> : vector<256xf32>
    %reduce_min3A_153 = vector.multi_reduction <minimumf>, %select_n3A_151, %reduce_min3A_152 [1] : vector<256x2048xf32> to vector<256xf32>
    %broadcast_in_dim3A_154 = vector.shape_cast %reduce_min3A_153 : vector<256xf32> to vector<256x1xf32>
    %eq3A_155 = vector.broadcast %broadcast_in_dim3A_154 : vector<256x1xf32> to vector<256x2048xf32>
    %eq3A_156 = arith.cmpf oeq, %select_n3A_151, %eq3A_155 : vector<256x2048xf32>
    %jit3A_157 = arith.constant 2048 : i32
    %broadcast_in_dim3A_158 = vector.broadcast %jit3A_157 : i32 to vector<256x2048xi32>
    %select_n3A_159 = arith.select %eq3A_156, %iota3A, %broadcast_in_dim3A_158 : vector<256x2048xi1>, vector<256x2048xi32>
    %reduce_min3A_160 = arith.constant dense<2147483647> : vector<256xi32>
    %reduce_min3A_161 = vector.multi_reduction <minsi>, %select_n3A_159, %reduce_min3A_160 [1] : vector<256x2048xi32> to vector<256xi32>
    %eq3A_162 = arith.constant 5 : i32
    %eq3A_163 = vector.broadcast %eq3A_162 : i32 to vector<256x20xi32>
    %eq3A_164 = arith.cmpi eq, %iota3A_22, %eq3A_163 : vector<256x20xi32>
    %broadcast_in_dim3A_165 = vector.shape_cast %reduce_min3A_161 : vector<256xi32> to vector<256x1xi32>
    %broadcast_in_dim3A_166 = vector.shape_cast %broadcast_in_dim3A_165 : vector<256x1xi32> to vector<256x1xi32>
    %broadcast_in_dim3A_167 = vector.broadcast %broadcast_in_dim3A_166 : vector<256x1xi32> to vector<256x20xi32>
    %select_n3A_168 = arith.select %eq3A_164, %broadcast_in_dim3A_167, %select_n3A_145 : vector<256x20xi1>, vector<256x20xi32>
    %broadcast_in_dim3A_169 = vector.shape_cast %reduce_min3A_161 : vector<256xi32> to vector<256x1xi32>
    %eq3A_170 = vector.broadcast %broadcast_in_dim3A_169 : vector<256x1xi32> to vector<256x2048xi32>
    %eq3A_171 = arith.cmpi eq, %iota3A, %eq3A_170 : vector<256x2048xi32>
    %jit3A_172 = arith.constant 0x7F800000 : f32
    %broadcast_in_dim3A_173 = vector.broadcast %jit3A_172 : f32 to vector<256x2048xf32>
    %select_n3A_174 = arith.select %eq3A_171, %broadcast_in_dim3A_173, %select_n3A_151 : vector<256x2048xi1>, vector<256x2048xf32>
    %reduce_min3A_175 = arith.constant dense<0x7F800000> : vector<256xf32>
    %reduce_min3A_176 = vector.multi_reduction <minimumf>, %select_n3A_174, %reduce_min3A_175 [1] : vector<256x2048xf32> to vector<256xf32>
    %broadcast_in_dim3A_177 = vector.shape_cast %reduce_min3A_176 : vector<256xf32> to vector<256x1xf32>
    %eq3A_178 = vector.broadcast %broadcast_in_dim3A_177 : vector<256x1xf32> to vector<256x2048xf32>
    %eq3A_179 = arith.cmpf oeq, %select_n3A_174, %eq3A_178 : vector<256x2048xf32>
    %jit3A_180 = arith.constant 2048 : i32
    %broadcast_in_dim3A_181 = vector.broadcast %jit3A_180 : i32 to vector<256x2048xi32>
    %select_n3A_182 = arith.select %eq3A_179, %iota3A, %broadcast_in_dim3A_181 : vector<256x2048xi1>, vector<256x2048xi32>
    %reduce_min3A_183 = arith.constant dense<2147483647> : vector<256xi32>
    %reduce_min3A_184 = vector.multi_reduction <minsi>, %select_n3A_182, %reduce_min3A_183 [1] : vector<256x2048xi32> to vector<256xi32>
    %eq3A_185 = arith.constant 6 : i32
    %eq3A_186 = vector.broadcast %eq3A_185 : i32 to vector<256x20xi32>
    %eq3A_187 = arith.cmpi eq, %iota3A_22, %eq3A_186 : vector<256x20xi32>
    %broadcast_in_dim3A_188 = vector.shape_cast %reduce_min3A_184 : vector<256xi32> to vector<256x1xi32>
    %broadcast_in_dim3A_189 = vector.shape_cast %broadcast_in_dim3A_188 : vector<256x1xi32> to vector<256x1xi32>
    %broadcast_in_dim3A_190 = vector.broadcast %broadcast_in_dim3A_189 : vector<256x1xi32> to vector<256x20xi32>
    %select_n3A_191 = arith.select %eq3A_187, %broadcast_in_dim3A_190, %select_n3A_168 : vector<256x20xi1>, vector<256x20xi32>
    %broadcast_in_dim3A_192 = vector.shape_cast %reduce_min3A_184 : vector<256xi32> to vector<256x1xi32>
    %eq3A_193 = vector.broadcast %broadcast_in_dim3A_192 : vector<256x1xi32> to vector<256x2048xi32>
    %eq3A_194 = arith.cmpi eq, %iota3A, %eq3A_193 : vector<256x2048xi32>
    %jit3A_195 = arith.constant 0x7F800000 : f32
    %broadcast_in_dim3A_196 = vector.broadcast %jit3A_195 : f32 to vector<256x2048xf32>
    %select_n3A_197 = arith.select %eq3A_194, %broadcast_in_dim3A_196, %select_n3A_174 : vector<256x2048xi1>, vector<256x2048xf32>
    %reduce_min3A_198 = arith.constant dense<0x7F800000> : vector<256xf32>
    %reduce_min3A_199 = vector.multi_reduction <minimumf>, %select_n3A_197, %reduce_min3A_198 [1] : vector<256x2048xf32> to vector<256xf32>
    %broadcast_in_dim3A_200 = vector.shape_cast %reduce_min3A_199 : vector<256xf32> to vector<256x1xf32>
    %eq3A_201 = vector.broadcast %broadcast_in_dim3A_200 : vector<256x1xf32> to vector<256x2048xf32>
    %eq3A_202 = arith.cmpf oeq, %select_n3A_197, %eq3A_201 : vector<256x2048xf32>
    %jit3A_203 = arith.constant 2048 : i32
    %broadcast_in_dim3A_204 = vector.broadcast %jit3A_203 : i32 to vector<256x2048xi32>
    %select_n3A_205 = arith.select %eq3A_202, %iota3A, %broadcast_in_dim3A_204 : vector<256x2048xi1>, vector<256x2048xi32>
    %reduce_min3A_206 = arith.constant dense<2147483647> : vector<256xi32>
    %reduce_min3A_207 = vector.multi_reduction <minsi>, %select_n3A_205, %reduce_min3A_206 [1] : vector<256x2048xi32> to vector<256xi32>
    %eq3A_208 = arith.constant 7 : i32
    %eq3A_209 = vector.broadcast %eq3A_208 : i32 to vector<256x20xi32>
    %eq3A_210 = arith.cmpi eq, %iota3A_22, %eq3A_209 : vector<256x20xi32>
    %broadcast_in_dim3A_211 = vector.shape_cast %reduce_min3A_207 : vector<256xi32> to vector<256x1xi32>
    %broadcast_in_dim3A_212 = vector.shape_cast %broadcast_in_dim3A_211 : vector<256x1xi32> to vector<256x1xi32>
    %broadcast_in_dim3A_213 = vector.broadcast %broadcast_in_dim3A_212 : vector<256x1xi32> to vector<256x20xi32>
    %select_n3A_214 = arith.select %eq3A_210, %broadcast_in_dim3A_213, %select_n3A_191 : vector<256x20xi1>, vector<256x20xi32>
    %broadcast_in_dim3A_215 = vector.shape_cast %reduce_min3A_207 : vector<256xi32> to vector<256x1xi32>
    %eq3A_216 = vector.broadcast %broadcast_in_dim3A_215 : vector<256x1xi32> to vector<256x2048xi32>
    %eq3A_217 = arith.cmpi eq, %iota3A, %eq3A_216 : vector<256x2048xi32>
    %jit3A_218 = arith.constant 0x7F800000 : f32
    %broadcast_in_dim3A_219 = vector.broadcast %jit3A_218 : f32 to vector<256x2048xf32>
    %select_n3A_220 = arith.select %eq3A_217, %broadcast_in_dim3A_219, %select_n3A_197 : vector<256x2048xi1>, vector<256x2048xf32>
    %reduce_min3A_221 = arith.constant dense<0x7F800000> : vector<256xf32>
    %reduce_min3A_222 = vector.multi_reduction <minimumf>, %select_n3A_220, %reduce_min3A_221 [1] : vector<256x2048xf32> to vector<256xf32>
    %broadcast_in_dim3A_223 = vector.shape_cast %reduce_min3A_222 : vector<256xf32> to vector<256x1xf32>
    %eq3A_224 = vector.broadcast %broadcast_in_dim3A_223 : vector<256x1xf32> to vector<256x2048xf32>
    %eq3A_225 = arith.cmpf oeq, %select_n3A_220, %eq3A_224 : vector<256x2048xf32>
    %jit3A_226 = arith.constant 2048 : i32
    %broadcast_in_dim3A_227 = vector.broadcast %jit3A_226 : i32 to vector<256x2048xi32>
    %select_n3A_228 = arith.select %eq3A_225, %iota3A, %broadcast_in_dim3A_227 : vector<256x2048xi1>, vector<256x2048xi32>
    %reduce_min3A_229 = arith.constant dense<2147483647> : vector<256xi32>
    %reduce_min3A_230 = vector.multi_reduction <minsi>, %select_n3A_228, %reduce_min3A_229 [1] : vector<256x2048xi32> to vector<256xi32>
    %eq3A_231 = arith.constant 8 : i32
    %eq3A_232 = vector.broadcast %eq3A_231 : i32 to vector<256x20xi32>
    %eq3A_233 = arith.cmpi eq, %iota3A_22, %eq3A_232 : vector<256x20xi32>
    %broadcast_in_dim3A_234 = vector.shape_cast %reduce_min3A_230 : vector<256xi32> to vector<256x1xi32>
    %broadcast_in_dim3A_235 = vector.shape_cast %broadcast_in_dim3A_234 : vector<256x1xi32> to vector<256x1xi32>
    %broadcast_in_dim3A_236 = vector.broadcast %broadcast_in_dim3A_235 : vector<256x1xi32> to vector<256x20xi32>
    %select_n3A_237 = arith.select %eq3A_233, %broadcast_in_dim3A_236, %select_n3A_214 : vector<256x20xi1>, vector<256x20xi32>
    %broadcast_in_dim3A_238 = vector.shape_cast %reduce_min3A_230 : vector<256xi32> to vector<256x1xi32>
    %eq3A_239 = vector.broadcast %broadcast_in_dim3A_238 : vector<256x1xi32> to vector<256x2048xi32>
    %eq3A_240 = arith.cmpi eq, %iota3A, %eq3A_239 : vector<256x2048xi32>
    %jit3A_241 = arith.constant 0x7F800000 : f32
    %broadcast_in_dim3A_242 = vector.broadcast %jit3A_241 : f32 to vector<256x2048xf32>
    %select_n3A_243 = arith.select %eq3A_240, %broadcast_in_dim3A_242, %select_n3A_220 : vector<256x2048xi1>, vector<256x2048xf32>
    %reduce_min3A_244 = arith.constant dense<0x7F800000> : vector<256xf32>
    %reduce_min3A_245 = vector.multi_reduction <minimumf>, %select_n3A_243, %reduce_min3A_244 [1] : vector<256x2048xf32> to vector<256xf32>
    %broadcast_in_dim3A_246 = vector.shape_cast %reduce_min3A_245 : vector<256xf32> to vector<256x1xf32>
    %eq3A_247 = vector.broadcast %broadcast_in_dim3A_246 : vector<256x1xf32> to vector<256x2048xf32>
    %eq3A_248 = arith.cmpf oeq, %select_n3A_243, %eq3A_247 : vector<256x2048xf32>
    %jit3A_249 = arith.constant 2048 : i32
    %broadcast_in_dim3A_250 = vector.broadcast %jit3A_249 : i32 to vector<256x2048xi32>
    %select_n3A_251 = arith.select %eq3A_248, %iota3A, %broadcast_in_dim3A_250 : vector<256x2048xi1>, vector<256x2048xi32>
    %reduce_min3A_252 = arith.constant dense<2147483647> : vector<256xi32>
    %reduce_min3A_253 = vector.multi_reduction <minsi>, %select_n3A_251, %reduce_min3A_252 [1] : vector<256x2048xi32> to vector<256xi32>
    %eq3A_254 = arith.constant 9 : i32
    %eq3A_255 = vector.broadcast %eq3A_254 : i32 to vector<256x20xi32>
    %eq3A_256 = arith.cmpi eq, %iota3A_22, %eq3A_255 : vector<256x20xi32>
    %broadcast_in_dim3A_257 = vector.shape_cast %reduce_min3A_253 : vector<256xi32> to vector<256x1xi32>
    %broadcast_in_dim3A_258 = vector.shape_cast %broadcast_in_dim3A_257 : vector<256x1xi32> to vector<256x1xi32>
    %broadcast_in_dim3A_259 = vector.broadcast %broadcast_in_dim3A_258 : vector<256x1xi32> to vector<256x20xi32>
    %select_n3A_260 = arith.select %eq3A_256, %broadcast_in_dim3A_259, %select_n3A_237 : vector<256x20xi1>, vector<256x20xi32>
    %broadcast_in_dim3A_261 = vector.shape_cast %reduce_min3A_253 : vector<256xi32> to vector<256x1xi32>
    %eq3A_262 = vector.broadcast %broadcast_in_dim3A_261 : vector<256x1xi32> to vector<256x2048xi32>
    %eq3A_263 = arith.cmpi eq, %iota3A, %eq3A_262 : vector<256x2048xi32>
    %jit3A_264 = arith.constant 0x7F800000 : f32
    %broadcast_in_dim3A_265 = vector.broadcast %jit3A_264 : f32 to vector<256x2048xf32>
    %select_n3A_266 = arith.select %eq3A_263, %broadcast_in_dim3A_265, %select_n3A_243 : vector<256x2048xi1>, vector<256x2048xf32>
    %reduce_min3A_267 = arith.constant dense<0x7F800000> : vector<256xf32>
    %reduce_min3A_268 = vector.multi_reduction <minimumf>, %select_n3A_266, %reduce_min3A_267 [1] : vector<256x2048xf32> to vector<256xf32>
    %broadcast_in_dim3A_269 = vector.shape_cast %reduce_min3A_268 : vector<256xf32> to vector<256x1xf32>
    %eq3A_270 = vector.broadcast %broadcast_in_dim3A_269 : vector<256x1xf32> to vector<256x2048xf32>
    %eq3A_271 = arith.cmpf oeq, %select_n3A_266, %eq3A_270 : vector<256x2048xf32>
    %jit3A_272 = arith.constant 2048 : i32
    %broadcast_in_dim3A_273 = vector.broadcast %jit3A_272 : i32 to vector<256x2048xi32>
    %select_n3A_274 = arith.select %eq3A_271, %iota3A, %broadcast_in_dim3A_273 : vector<256x2048xi1>, vector<256x2048xi32>
    %reduce_min3A_275 = arith.constant dense<2147483647> : vector<256xi32>
    %reduce_min3A_276 = vector.multi_reduction <minsi>, %select_n3A_274, %reduce_min3A_275 [1] : vector<256x2048xi32> to vector<256xi32>
    %eq3A_277 = arith.constant 10 : i32
    %eq3A_278 = vector.broadcast %eq3A_277 : i32 to vector<256x20xi32>
    %eq3A_279 = arith.cmpi eq, %iota3A_22, %eq3A_278 : vector<256x20xi32>
    %broadcast_in_dim3A_280 = vector.shape_cast %reduce_min3A_276 : vector<256xi32> to vector<256x1xi32>
    %broadcast_in_dim3A_281 = vector.shape_cast %broadcast_in_dim3A_280 : vector<256x1xi32> to vector<256x1xi32>
    %broadcast_in_dim3A_282 = vector.broadcast %broadcast_in_dim3A_281 : vector<256x1xi32> to vector<256x20xi32>
    %select_n3A_283 = arith.select %eq3A_279, %broadcast_in_dim3A_282, %select_n3A_260 : vector<256x20xi1>, vector<256x20xi32>
    %broadcast_in_dim3A_284 = vector.shape_cast %reduce_min3A_276 : vector<256xi32> to vector<256x1xi32>
    %eq3A_285 = vector.broadcast %broadcast_in_dim3A_284 : vector<256x1xi32> to vector<256x2048xi32>
    %eq3A_286 = arith.cmpi eq, %iota3A, %eq3A_285 : vector<256x2048xi32>
    %jit3A_287 = arith.constant 0x7F800000 : f32
    %broadcast_in_dim3A_288 = vector.broadcast %jit3A_287 : f32 to vector<256x2048xf32>
    %select_n3A_289 = arith.select %eq3A_286, %broadcast_in_dim3A_288, %select_n3A_266 : vector<256x2048xi1>, vector<256x2048xf32>
    %reduce_min3A_290 = arith.constant dense<0x7F800000> : vector<256xf32>
    %reduce_min3A_291 = vector.multi_reduction <minimumf>, %select_n3A_289, %reduce_min3A_290 [1] : vector<256x2048xf32> to vector<256xf32>
    %broadcast_in_dim3A_292 = vector.shape_cast %reduce_min3A_291 : vector<256xf32> to vector<256x1xf32>
    %eq3A_293 = vector.broadcast %broadcast_in_dim3A_292 : vector<256x1xf32> to vector<256x2048xf32>
    %eq3A_294 = arith.cmpf oeq, %select_n3A_289, %eq3A_293 : vector<256x2048xf32>
    %jit3A_295 = arith.constant 2048 : i32
    %broadcast_in_dim3A_296 = vector.broadcast %jit3A_295 : i32 to vector<256x2048xi32>
    %select_n3A_297 = arith.select %eq3A_294, %iota3A, %broadcast_in_dim3A_296 : vector<256x2048xi1>, vector<256x2048xi32>
    %reduce_min3A_298 = arith.constant dense<2147483647> : vector<256xi32>
    %reduce_min3A_299 = vector.multi_reduction <minsi>, %select_n3A_297, %reduce_min3A_298 [1] : vector<256x2048xi32> to vector<256xi32>
    %eq3A_300 = arith.constant 11 : i32
    %eq3A_301 = vector.broadcast %eq3A_300 : i32 to vector<256x20xi32>
    %eq3A_302 = arith.cmpi eq, %iota3A_22, %eq3A_301 : vector<256x20xi32>
    %broadcast_in_dim3A_303 = vector.shape_cast %reduce_min3A_299 : vector<256xi32> to vector<256x1xi32>
    %broadcast_in_dim3A_304 = vector.shape_cast %broadcast_in_dim3A_303 : vector<256x1xi32> to vector<256x1xi32>
    %broadcast_in_dim3A_305 = vector.broadcast %broadcast_in_dim3A_304 : vector<256x1xi32> to vector<256x20xi32>
    %select_n3A_306 = arith.select %eq3A_302, %broadcast_in_dim3A_305, %select_n3A_283 : vector<256x20xi1>, vector<256x20xi32>
    %broadcast_in_dim3A_307 = vector.shape_cast %reduce_min3A_299 : vector<256xi32> to vector<256x1xi32>
    %eq3A_308 = vector.broadcast %broadcast_in_dim3A_307 : vector<256x1xi32> to vector<256x2048xi32>
    %eq3A_309 = arith.cmpi eq, %iota3A, %eq3A_308 : vector<256x2048xi32>
    %jit3A_310 = arith.constant 0x7F800000 : f32
    %broadcast_in_dim3A_311 = vector.broadcast %jit3A_310 : f32 to vector<256x2048xf32>
    %select_n3A_312 = arith.select %eq3A_309, %broadcast_in_dim3A_311, %select_n3A_289 : vector<256x2048xi1>, vector<256x2048xf32>
    %reduce_min3A_313 = arith.constant dense<0x7F800000> : vector<256xf32>
    %reduce_min3A_314 = vector.multi_reduction <minimumf>, %select_n3A_312, %reduce_min3A_313 [1] : vector<256x2048xf32> to vector<256xf32>
    %broadcast_in_dim3A_315 = vector.shape_cast %reduce_min3A_314 : vector<256xf32> to vector<256x1xf32>
    %eq3A_316 = vector.broadcast %broadcast_in_dim3A_315 : vector<256x1xf32> to vector<256x2048xf32>
    %eq3A_317 = arith.cmpf oeq, %select_n3A_312, %eq3A_316 : vector<256x2048xf32>
    %jit3A_318 = arith.constant 2048 : i32
    %broadcast_in_dim3A_319 = vector.broadcast %jit3A_318 : i32 to vector<256x2048xi32>
    %select_n3A_320 = arith.select %eq3A_317, %iota3A, %broadcast_in_dim3A_319 : vector<256x2048xi1>, vector<256x2048xi32>
    %reduce_min3A_321 = arith.constant dense<2147483647> : vector<256xi32>
    %reduce_min3A_322 = vector.multi_reduction <minsi>, %select_n3A_320, %reduce_min3A_321 [1] : vector<256x2048xi32> to vector<256xi32>
    %eq3A_323 = arith.constant 12 : i32
    %eq3A_324 = vector.broadcast %eq3A_323 : i32 to vector<256x20xi32>
    %eq3A_325 = arith.cmpi eq, %iota3A_22, %eq3A_324 : vector<256x20xi32>
    %broadcast_in_dim3A_326 = vector.shape_cast %reduce_min3A_322 : vector<256xi32> to vector<256x1xi32>
    %broadcast_in_dim3A_327 = vector.shape_cast %broadcast_in_dim3A_326 : vector<256x1xi32> to vector<256x1xi32>
    %broadcast_in_dim3A_328 = vector.broadcast %broadcast_in_dim3A_327 : vector<256x1xi32> to vector<256x20xi32>
    %select_n3A_329 = arith.select %eq3A_325, %broadcast_in_dim3A_328, %select_n3A_306 : vector<256x20xi1>, vector<256x20xi32>
    %broadcast_in_dim3A_330 = vector.shape_cast %reduce_min3A_322 : vector<256xi32> to vector<256x1xi32>
    %eq3A_331 = vector.broadcast %broadcast_in_dim3A_330 : vector<256x1xi32> to vector<256x2048xi32>
    %eq3A_332 = arith.cmpi eq, %iota3A, %eq3A_331 : vector<256x2048xi32>
    %jit3A_333 = arith.constant 0x7F800000 : f32
    %broadcast_in_dim3A_334 = vector.broadcast %jit3A_333 : f32 to vector<256x2048xf32>
    %select_n3A_335 = arith.select %eq3A_332, %broadcast_in_dim3A_334, %select_n3A_312 : vector<256x2048xi1>, vector<256x2048xf32>
    %reduce_min3A_336 = arith.constant dense<0x7F800000> : vector<256xf32>
    %reduce_min3A_337 = vector.multi_reduction <minimumf>, %select_n3A_335, %reduce_min3A_336 [1] : vector<256x2048xf32> to vector<256xf32>
    %broadcast_in_dim3A_338 = vector.shape_cast %reduce_min3A_337 : vector<256xf32> to vector<256x1xf32>
    %eq3A_339 = vector.broadcast %broadcast_in_dim3A_338 : vector<256x1xf32> to vector<256x2048xf32>
    %eq3A_340 = arith.cmpf oeq, %select_n3A_335, %eq3A_339 : vector<256x2048xf32>
    %jit3A_341 = arith.constant 2048 : i32
    %broadcast_in_dim3A_342 = vector.broadcast %jit3A_341 : i32 to vector<256x2048xi32>
    %select_n3A_343 = arith.select %eq3A_340, %iota3A, %broadcast_in_dim3A_342 : vector<256x2048xi1>, vector<256x2048xi32>
    %reduce_min3A_344 = arith.constant dense<2147483647> : vector<256xi32>
    %reduce_min3A_345 = vector.multi_reduction <minsi>, %select_n3A_343, %reduce_min3A_344 [1] : vector<256x2048xi32> to vector<256xi32>
    %eq3A_346 = arith.constant 13 : i32
    %eq3A_347 = vector.broadcast %eq3A_346 : i32 to vector<256x20xi32>
    %eq3A_348 = arith.cmpi eq, %iota3A_22, %eq3A_347 : vector<256x20xi32>
    %broadcast_in_dim3A_349 = vector.shape_cast %reduce_min3A_345 : vector<256xi32> to vector<256x1xi32>
    %broadcast_in_dim3A_350 = vector.shape_cast %broadcast_in_dim3A_349 : vector<256x1xi32> to vector<256x1xi32>
    %broadcast_in_dim3A_351 = vector.broadcast %broadcast_in_dim3A_350 : vector<256x1xi32> to vector<256x20xi32>
    %select_n3A_352 = arith.select %eq3A_348, %broadcast_in_dim3A_351, %select_n3A_329 : vector<256x20xi1>, vector<256x20xi32>
    %broadcast_in_dim3A_353 = vector.shape_cast %reduce_min3A_345 : vector<256xi32> to vector<256x1xi32>
    %eq3A_354 = vector.broadcast %broadcast_in_dim3A_353 : vector<256x1xi32> to vector<256x2048xi32>
    %eq3A_355 = arith.cmpi eq, %iota3A, %eq3A_354 : vector<256x2048xi32>
    %jit3A_356 = arith.constant 0x7F800000 : f32
    %broadcast_in_dim3A_357 = vector.broadcast %jit3A_356 : f32 to vector<256x2048xf32>
    %select_n3A_358 = arith.select %eq3A_355, %broadcast_in_dim3A_357, %select_n3A_335 : vector<256x2048xi1>, vector<256x2048xf32>
    %reduce_min3A_359 = arith.constant dense<0x7F800000> : vector<256xf32>
    %reduce_min3A_360 = vector.multi_reduction <minimumf>, %select_n3A_358, %reduce_min3A_359 [1] : vector<256x2048xf32> to vector<256xf32>
    %broadcast_in_dim3A_361 = vector.shape_cast %reduce_min3A_360 : vector<256xf32> to vector<256x1xf32>
    %eq3A_362 = vector.broadcast %broadcast_in_dim3A_361 : vector<256x1xf32> to vector<256x2048xf32>
    %eq3A_363 = arith.cmpf oeq, %select_n3A_358, %eq3A_362 : vector<256x2048xf32>
    %jit3A_364 = arith.constant 2048 : i32
    %broadcast_in_dim3A_365 = vector.broadcast %jit3A_364 : i32 to vector<256x2048xi32>
    %select_n3A_366 = arith.select %eq3A_363, %iota3A, %broadcast_in_dim3A_365 : vector<256x2048xi1>, vector<256x2048xi32>
    %reduce_min3A_367 = arith.constant dense<2147483647> : vector<256xi32>
    %reduce_min3A_368 = vector.multi_reduction <minsi>, %select_n3A_366, %reduce_min3A_367 [1] : vector<256x2048xi32> to vector<256xi32>
    %eq3A_369 = arith.constant 14 : i32
    %eq3A_370 = vector.broadcast %eq3A_369 : i32 to vector<256x20xi32>
    %eq3A_371 = arith.cmpi eq, %iota3A_22, %eq3A_370 : vector<256x20xi32>
    %broadcast_in_dim3A_372 = vector.shape_cast %reduce_min3A_368 : vector<256xi32> to vector<256x1xi32>
    %broadcast_in_dim3A_373 = vector.shape_cast %broadcast_in_dim3A_372 : vector<256x1xi32> to vector<256x1xi32>
    %broadcast_in_dim3A_374 = vector.broadcast %broadcast_in_dim3A_373 : vector<256x1xi32> to vector<256x20xi32>
    %select_n3A_375 = arith.select %eq3A_371, %broadcast_in_dim3A_374, %select_n3A_352 : vector<256x20xi1>, vector<256x20xi32>
    %broadcast_in_dim3A_376 = vector.shape_cast %reduce_min3A_368 : vector<256xi32> to vector<256x1xi32>
    %eq3A_377 = vector.broadcast %broadcast_in_dim3A_376 : vector<256x1xi32> to vector<256x2048xi32>
    %eq3A_378 = arith.cmpi eq, %iota3A, %eq3A_377 : vector<256x2048xi32>
    %jit3A_379 = arith.constant 0x7F800000 : f32
    %broadcast_in_dim3A_380 = vector.broadcast %jit3A_379 : f32 to vector<256x2048xf32>
    %select_n3A_381 = arith.select %eq3A_378, %broadcast_in_dim3A_380, %select_n3A_358 : vector<256x2048xi1>, vector<256x2048xf32>
    %reduce_min3A_382 = arith.constant dense<0x7F800000> : vector<256xf32>
    %reduce_min3A_383 = vector.multi_reduction <minimumf>, %select_n3A_381, %reduce_min3A_382 [1] : vector<256x2048xf32> to vector<256xf32>
    %broadcast_in_dim3A_384 = vector.shape_cast %reduce_min3A_383 : vector<256xf32> to vector<256x1xf32>
    %eq3A_385 = vector.broadcast %broadcast_in_dim3A_384 : vector<256x1xf32> to vector<256x2048xf32>
    %eq3A_386 = arith.cmpf oeq, %select_n3A_381, %eq3A_385 : vector<256x2048xf32>
    %jit3A_387 = arith.constant 2048 : i32
    %broadcast_in_dim3A_388 = vector.broadcast %jit3A_387 : i32 to vector<256x2048xi32>
    %select_n3A_389 = arith.select %eq3A_386, %iota3A, %broadcast_in_dim3A_388 : vector<256x2048xi1>, vector<256x2048xi32>
    %reduce_min3A_390 = arith.constant dense<2147483647> : vector<256xi32>
    %reduce_min3A_391 = vector.multi_reduction <minsi>, %select_n3A_389, %reduce_min3A_390 [1] : vector<256x2048xi32> to vector<256xi32>
    %eq3A_392 = arith.constant 15 : i32
    %eq3A_393 = vector.broadcast %eq3A_392 : i32 to vector<256x20xi32>
    %eq3A_394 = arith.cmpi eq, %iota3A_22, %eq3A_393 : vector<256x20xi32>
    %broadcast_in_dim3A_395 = vector.shape_cast %reduce_min3A_391 : vector<256xi32> to vector<256x1xi32>
    %broadcast_in_dim3A_396 = vector.shape_cast %broadcast_in_dim3A_395 : vector<256x1xi32> to vector<256x1xi32>
    %broadcast_in_dim3A_397 = vector.broadcast %broadcast_in_dim3A_396 : vector<256x1xi32> to vector<256x20xi32>
    %select_n3A_398 = arith.select %eq3A_394, %broadcast_in_dim3A_397, %select_n3A_375 : vector<256x20xi1>, vector<256x20xi32>
    %broadcast_in_dim3A_399 = vector.shape_cast %reduce_min3A_391 : vector<256xi32> to vector<256x1xi32>
    %eq3A_400 = vector.broadcast %broadcast_in_dim3A_399 : vector<256x1xi32> to vector<256x2048xi32>
    %eq3A_401 = arith.cmpi eq, %iota3A, %eq3A_400 : vector<256x2048xi32>
    %jit3A_402 = arith.constant 0x7F800000 : f32
    %broadcast_in_dim3A_403 = vector.broadcast %jit3A_402 : f32 to vector<256x2048xf32>
    %select_n3A_404 = arith.select %eq3A_401, %broadcast_in_dim3A_403, %select_n3A_381 : vector<256x2048xi1>, vector<256x2048xf32>
    %reduce_min3A_405 = arith.constant dense<0x7F800000> : vector<256xf32>
    %reduce_min3A_406 = vector.multi_reduction <minimumf>, %select_n3A_404, %reduce_min3A_405 [1] : vector<256x2048xf32> to vector<256xf32>
    %broadcast_in_dim3A_407 = vector.shape_cast %reduce_min3A_406 : vector<256xf32> to vector<256x1xf32>
    %eq3A_408 = vector.broadcast %broadcast_in_dim3A_407 : vector<256x1xf32> to vector<256x2048xf32>
    %eq3A_409 = arith.cmpf oeq, %select_n3A_404, %eq3A_408 : vector<256x2048xf32>
    %jit3A_410 = arith.constant 2048 : i32
    %broadcast_in_dim3A_411 = vector.broadcast %jit3A_410 : i32 to vector<256x2048xi32>
    %select_n3A_412 = arith.select %eq3A_409, %iota3A, %broadcast_in_dim3A_411 : vector<256x2048xi1>, vector<256x2048xi32>
    %reduce_min3A_413 = arith.constant dense<2147483647> : vector<256xi32>
    %reduce_min3A_414 = vector.multi_reduction <minsi>, %select_n3A_412, %reduce_min3A_413 [1] : vector<256x2048xi32> to vector<256xi32>
    %eq3A_415 = arith.constant 16 : i32
    %eq3A_416 = vector.broadcast %eq3A_415 : i32 to vector<256x20xi32>
    %eq3A_417 = arith.cmpi eq, %iota3A_22, %eq3A_416 : vector<256x20xi32>
    %broadcast_in_dim3A_418 = vector.shape_cast %reduce_min3A_414 : vector<256xi32> to vector<256x1xi32>
    %broadcast_in_dim3A_419 = vector.shape_cast %broadcast_in_dim3A_418 : vector<256x1xi32> to vector<256x1xi32>
    %broadcast_in_dim3A_420 = vector.broadcast %broadcast_in_dim3A_419 : vector<256x1xi32> to vector<256x20xi32>
    %select_n3A_421 = arith.select %eq3A_417, %broadcast_in_dim3A_420, %select_n3A_398 : vector<256x20xi1>, vector<256x20xi32>
    %broadcast_in_dim3A_422 = vector.shape_cast %reduce_min3A_414 : vector<256xi32> to vector<256x1xi32>
    %eq3A_423 = vector.broadcast %broadcast_in_dim3A_422 : vector<256x1xi32> to vector<256x2048xi32>
    %eq3A_424 = arith.cmpi eq, %iota3A, %eq3A_423 : vector<256x2048xi32>
    %jit3A_425 = arith.constant 0x7F800000 : f32
    %broadcast_in_dim3A_426 = vector.broadcast %jit3A_425 : f32 to vector<256x2048xf32>
    %select_n3A_427 = arith.select %eq3A_424, %broadcast_in_dim3A_426, %select_n3A_404 : vector<256x2048xi1>, vector<256x2048xf32>
    %reduce_min3A_428 = arith.constant dense<0x7F800000> : vector<256xf32>
    %reduce_min3A_429 = vector.multi_reduction <minimumf>, %select_n3A_427, %reduce_min3A_428 [1] : vector<256x2048xf32> to vector<256xf32>
    %broadcast_in_dim3A_430 = vector.shape_cast %reduce_min3A_429 : vector<256xf32> to vector<256x1xf32>
    %eq3A_431 = vector.broadcast %broadcast_in_dim3A_430 : vector<256x1xf32> to vector<256x2048xf32>
    %eq3A_432 = arith.cmpf oeq, %select_n3A_427, %eq3A_431 : vector<256x2048xf32>
    %jit3A_433 = arith.constant 2048 : i32
    %broadcast_in_dim3A_434 = vector.broadcast %jit3A_433 : i32 to vector<256x2048xi32>
    %select_n3A_435 = arith.select %eq3A_432, %iota3A, %broadcast_in_dim3A_434 : vector<256x2048xi1>, vector<256x2048xi32>
    %reduce_min3A_436 = arith.constant dense<2147483647> : vector<256xi32>
    %reduce_min3A_437 = vector.multi_reduction <minsi>, %select_n3A_435, %reduce_min3A_436 [1] : vector<256x2048xi32> to vector<256xi32>
    %eq3A_438 = arith.constant 17 : i32
    %eq3A_439 = vector.broadcast %eq3A_438 : i32 to vector<256x20xi32>
    %eq3A_440 = arith.cmpi eq, %iota3A_22, %eq3A_439 : vector<256x20xi32>
    %broadcast_in_dim3A_441 = vector.shape_cast %reduce_min3A_437 : vector<256xi32> to vector<256x1xi32>
    %broadcast_in_dim3A_442 = vector.shape_cast %broadcast_in_dim3A_441 : vector<256x1xi32> to vector<256x1xi32>
    %broadcast_in_dim3A_443 = vector.broadcast %broadcast_in_dim3A_442 : vector<256x1xi32> to vector<256x20xi32>
    %select_n3A_444 = arith.select %eq3A_440, %broadcast_in_dim3A_443, %select_n3A_421 : vector<256x20xi1>, vector<256x20xi32>
    %broadcast_in_dim3A_445 = vector.shape_cast %reduce_min3A_437 : vector<256xi32> to vector<256x1xi32>
    %eq3A_446 = vector.broadcast %broadcast_in_dim3A_445 : vector<256x1xi32> to vector<256x2048xi32>
    %eq3A_447 = arith.cmpi eq, %iota3A, %eq3A_446 : vector<256x2048xi32>
    %jit3A_448 = arith.constant 0x7F800000 : f32
    %broadcast_in_dim3A_449 = vector.broadcast %jit3A_448 : f32 to vector<256x2048xf32>
    %select_n3A_450 = arith.select %eq3A_447, %broadcast_in_dim3A_449, %select_n3A_427 : vector<256x2048xi1>, vector<256x2048xf32>
    %reduce_min3A_451 = arith.constant dense<0x7F800000> : vector<256xf32>
    %reduce_min3A_452 = vector.multi_reduction <minimumf>, %select_n3A_450, %reduce_min3A_451 [1] : vector<256x2048xf32> to vector<256xf32>
    %broadcast_in_dim3A_453 = vector.shape_cast %reduce_min3A_452 : vector<256xf32> to vector<256x1xf32>
    %eq3A_454 = vector.broadcast %broadcast_in_dim3A_453 : vector<256x1xf32> to vector<256x2048xf32>
    %eq3A_455 = arith.cmpf oeq, %select_n3A_450, %eq3A_454 : vector<256x2048xf32>
    %jit3A_456 = arith.constant 2048 : i32
    %broadcast_in_dim3A_457 = vector.broadcast %jit3A_456 : i32 to vector<256x2048xi32>
    %select_n3A_458 = arith.select %eq3A_455, %iota3A, %broadcast_in_dim3A_457 : vector<256x2048xi1>, vector<256x2048xi32>
    %reduce_min3A_459 = arith.constant dense<2147483647> : vector<256xi32>
    %reduce_min3A_460 = vector.multi_reduction <minsi>, %select_n3A_458, %reduce_min3A_459 [1] : vector<256x2048xi32> to vector<256xi32>
    %eq3A_461 = arith.constant 18 : i32
    %eq3A_462 = vector.broadcast %eq3A_461 : i32 to vector<256x20xi32>
    %eq3A_463 = arith.cmpi eq, %iota3A_22, %eq3A_462 : vector<256x20xi32>
    %broadcast_in_dim3A_464 = vector.shape_cast %reduce_min3A_460 : vector<256xi32> to vector<256x1xi32>
    %broadcast_in_dim3A_465 = vector.shape_cast %broadcast_in_dim3A_464 : vector<256x1xi32> to vector<256x1xi32>
    %broadcast_in_dim3A_466 = vector.broadcast %broadcast_in_dim3A_465 : vector<256x1xi32> to vector<256x20xi32>
    %select_n3A_467 = arith.select %eq3A_463, %broadcast_in_dim3A_466, %select_n3A_444 : vector<256x20xi1>, vector<256x20xi32>
    %broadcast_in_dim3A_468 = vector.shape_cast %reduce_min3A_460 : vector<256xi32> to vector<256x1xi32>
    %eq3A_469 = vector.broadcast %broadcast_in_dim3A_468 : vector<256x1xi32> to vector<256x2048xi32>
    %eq3A_470 = arith.cmpi eq, %iota3A, %eq3A_469 : vector<256x2048xi32>
    %jit3A_471 = arith.constant 0x7F800000 : f32
    %broadcast_in_dim3A_472 = vector.broadcast %jit3A_471 : f32 to vector<256x2048xf32>
    %select_n3A_473 = arith.select %eq3A_470, %broadcast_in_dim3A_472, %select_n3A_450 : vector<256x2048xi1>, vector<256x2048xf32>
    %reduce_min3A_474 = arith.constant dense<0x7F800000> : vector<256xf32>
    %reduce_min3A_475 = vector.multi_reduction <minimumf>, %select_n3A_473, %reduce_min3A_474 [1] : vector<256x2048xf32> to vector<256xf32>
    %broadcast_in_dim3A_476 = vector.shape_cast %reduce_min3A_475 : vector<256xf32> to vector<256x1xf32>
    %eq3A_477 = vector.broadcast %broadcast_in_dim3A_476 : vector<256x1xf32> to vector<256x2048xf32>
    %eq3A_478 = arith.cmpf oeq, %select_n3A_473, %eq3A_477 : vector<256x2048xf32>
    %jit3A_479 = arith.constant 2048 : i32
    %broadcast_in_dim3A_480 = vector.broadcast %jit3A_479 : i32 to vector<256x2048xi32>
    %select_n3A_481 = arith.select %eq3A_478, %iota3A, %broadcast_in_dim3A_480 : vector<256x2048xi1>, vector<256x2048xi32>
    %reduce_min3A_482 = arith.constant dense<2147483647> : vector<256xi32>
    %reduce_min3A_483 = vector.multi_reduction <minsi>, %select_n3A_481, %reduce_min3A_482 [1] : vector<256x2048xi32> to vector<256xi32>
    %eq3A_484 = arith.constant 19 : i32
    %eq3A_485 = vector.broadcast %eq3A_484 : i32 to vector<256x20xi32>
    %eq3A_486 = arith.cmpi eq, %iota3A_22, %eq3A_485 : vector<256x20xi32>
    %broadcast_in_dim3A_487 = vector.shape_cast %reduce_min3A_483 : vector<256xi32> to vector<256x1xi32>
    %broadcast_in_dim3A_488 = vector.shape_cast %broadcast_in_dim3A_487 : vector<256x1xi32> to vector<256x1xi32>
    %broadcast_in_dim3A_489 = vector.broadcast %broadcast_in_dim3A_488 : vector<256x1xi32> to vector<256x20xi32>
    %select_n3A_490 = arith.select %eq3A_486, %broadcast_in_dim3A_489, %select_n3A_467 : vector<256x20xi1>, vector<256x20xi32>
    %swap3A = arith.constant 0 : index
    %swap3A_491 = arith.constant 0 : index
    %swap3A_492 = arith.constant 0 : index
    %swap3A_493 = vector.load %arg5[%swap3A, %swap3A_491, %swap3A_492] : memref<1x256x20xi32, #tpu.memory_space<vmem>>, vector<1x256x20xi32>
    %swap3A_494 = vector.shape_cast %swap3A_493 : vector<1x256x20xi32> to vector<256x20xi32>
    %swap3A_495 = vector.shape_cast %select_n3A_490 : vector<256x20xi32> to vector<1x256x20xi32>
    tpu.vector_store %arg5[%swap3A, %swap3A_491, %swap3A_492], %swap3A_495 {strides = array<i32>} : memref<1x256x20xi32, #tpu.memory_space<vmem>>, vector<1x256x20xi32>,
    return
  }
  func.func @transform_0(%arg0: i32, %arg1: i32) -> (i32, i32, i32) {
    %c0_i32 = arith.constant 0 : i32
    %c0_i32_0 = arith.constant 0 : i32
    return %arg0, %arg1, %c0_i32 : i32, i32, i32
  }
  func.func @transform_1(%arg0: i32, %arg1: i32) -> (i32, i32, i32) {
    %c0_i32 = arith.constant 0 : i32
    %c0_i32_0 = arith.constant 0 : i32
    %c0_i32_1 = arith.constant 0 : i32
    return %arg0, %c0_i32, %c0_i32_0 : i32, i32, i32
  }
  func.func @transform_2(%arg0: i32, %arg1: i32) -> (i32, i32, i32) {
    %c0_i32 = arith.constant 0 : i32
    %c0_i32_0 = arith.constant 0 : i32
    %c0_i32_1 = arith.constant 0 : i32
    return %arg0, %c0_i32, %c0_i32_0 : i32, i32, i32
  }
  func.func @transform_3(%arg0: i32, %arg1: i32) -> (i32, i32, i32) {
    %c0_i32 = arith.constant 0 : i32
    %c0_i32_0 = arith.constant 0 : i32
    return %arg0, %arg1, %c0_i32 : i32, i32, i32
  }
}

module attributes {stable_mosaic.version = 14 : i64} {
  func.func @_knn_body(%arg0: i32, %arg1: i32, %arg2: memref<1x128x3xf32, #tpu.memory_space<vmem>>, %arg3: memref<1x3x128xf32, #tpu.memory_space<vmem>>, %arg4: memref<1x1x128xf32, #tpu.memory_space<vmem>>, %arg5: memref<1x128x20xi32, #tpu.memory_space<vmem>>) attributes {dimension_semantics = [#tpu.dimension_semantics<arbitrary>, #tpu.dimension_semantics<arbitrary>], iteration_bounds = array<i64: 8, 1>, scalar_prefetch = 0 : i64, scratch_operands = 0 : i64, tpu.core_type = #tpu.core_type<tc>, window_params = [{transform_indices = @transform_0, window_bounds = array<i64: 1, 128, 3>}, {transform_indices = @transform_1, window_bounds = array<i64: 1, 3, 128>}, {transform_indices = @transform_2, window_bounds = array<i64: 1, 1, 128>}, {transform_indices = @transform_3, window_bounds = array<i64: 1, 128, 20>}]} {
    %get3A = arith.constant 0 : index
    %get3A_0 = arith.constant 0 : index
    %get3A_1 = arith.constant 0 : index
    %get3A_2 = vector.load %arg2[%get3A, %get3A_0, %get3A_1] : memref<1x128x3xf32, #tpu.memory_space<vmem>>, vector<1x128x3xf32>
    %get3A_3 = vector.shape_cast %get3A_2 : vector<1x128x3xf32> to vector<128x3xf32>
    %get3A_4 = arith.constant 0 : index
    %get3A_5 = arith.constant 0 : index
    %get3A_6 = arith.constant 0 : index
    %get3A_7 = vector.load %arg3[%get3A_4, %get3A_5, %get3A_6] : memref<1x3x128xf32, #tpu.memory_space<vmem>>, vector<1x3x128xf32>
    %get3A_8 = vector.shape_cast %get3A_7 : vector<1x3x128xf32> to vector<3x128xf32>
    %get3A_9 = arith.constant 0 : index
    %get3A_10 = arith.constant 0 : index
    %get3A_11 = arith.constant 0 : index
    %get3A_12 = vector.load %arg4[%get3A_9, %get3A_10, %get3A_11] : memref<1x1x128xf32, #tpu.memory_space<vmem>>, vector<1x1x128xf32>
    %get3A_13 = vector.shape_cast %get3A_12 : vector<1x1x128xf32> to vector<1x128xf32>
    %dot_general3A = arith.constant dense<0.000000e+00> : vector<128x128xf32>
    %dot_general3A_14 = tpu.matmul %get3A_3, %get3A_8, %dot_general3A {dimension_numbers = #tpu.dot_dimension_numbers<[1], [0], [0], [1], [0, 0, 1, 1], [], []>, transpose_lhs_hint = false} : vector<128x3xf32>, vector<3x128xf32>, vector<128x128xf32> -> vector<128x128xf32>
    %mul3A = arith.mulf %get3A_3, %get3A_3 : vector<128x3xf32>
    %reduce_sum3A = arith.constant dense<0.000000e+00> : vector<128xf32>
    %reduce_sum3A_15 = vector.multi_reduction <add>, %mul3A, %reduce_sum3A [1] : vector<128x3xf32> to vector<128xf32>
    %broadcast_in_dim3A = vector.shape_cast %reduce_sum3A_15 : vector<128xf32> to vector<128x1xf32>
    %mul3A_16 = arith.constant -2.000000e+00 : f32
    %mul3A_17 = vector.broadcast %mul3A_16 : f32 to vector<128x128xf32>
    %mul3A_18 = arith.mulf %mul3A_17, %dot_general3A_14 : vector<128x128xf32>
    %add3A = vector.broadcast %get3A_13 : vector<1x128xf32> to vector<128x128xf32>
    %add3A_19 = arith.addf %mul3A_18, %add3A : vector<128x128xf32>
    %add3A_20 = vector.broadcast %broadcast_in_dim3A : vector<128x1xf32> to vector<128x128xf32>
    %add3A_21 = arith.addf %add3A_19, %add3A_20 : vector<128x128xf32>
    %iota3A = tpu.iota {dimensions = array<i32: 1>} : vector<128x128xi32>
    %iota3A_22 = tpu.iota {dimensions = array<i32: 1>} : vector<128x20xi32>
    %broadcast_in_dim3A_23 = arith.constant 0 : i32
    %broadcast_in_dim3A_24 = vector.broadcast %broadcast_in_dim3A_23 : i32 to vector<128x20xi32>
    %reduce_min3A = arith.constant dense<0x7F800000> : vector<128xf32>
    %reduce_min3A_25 = vector.multi_reduction <minimumf>, %add3A_21, %reduce_min3A [1] : vector<128x128xf32> to vector<128xf32>
    %broadcast_in_dim3A_26 = vector.shape_cast %reduce_min3A_25 : vector<128xf32> to vector<128x1xf32>
    %eq3A = vector.broadcast %broadcast_in_dim3A_26 : vector<128x1xf32> to vector<128x128xf32>
    %eq3A_27 = arith.cmpf oeq, %add3A_21, %eq3A : vector<128x128xf32>
    %jit3A = arith.constant 128 : i32
    %broadcast_in_dim3A_28 = vector.broadcast %jit3A : i32 to vector<128x128xi32>
    %select_n3A = arith.select %eq3A_27, %iota3A, %broadcast_in_dim3A_28 : vector<128x128xi1>, vector<128x128xi32>
    %reduce_min3A_29 = arith.constant dense<2147483647> : vector<128xi32>
    %reduce_min3A_30 = vector.multi_reduction <minsi>, %select_n3A, %reduce_min3A_29 [1] : vector<128x128xi32> to vector<128xi32>
    %broadcast_in_dim3A_31 = vector.shape_cast %reduce_min3A_30 : vector<128xi32> to vector<128x1xi32>
    %eq3A_32 = vector.broadcast %broadcast_in_dim3A_31 : vector<128x1xi32> to vector<128x128xi32>
    %eq3A_33 = arith.cmpi eq, %iota3A, %eq3A_32 : vector<128x128xi32>
    %jit3A_34 = arith.constant 0x7F800000 : f32
    %broadcast_in_dim3A_35 = vector.broadcast %jit3A_34 : f32 to vector<128x128xf32>
    %select_n3A_36 = arith.select %eq3A_33, %broadcast_in_dim3A_35, %add3A_21 : vector<128x128xi1>, vector<128x128xf32>
    %reduce_min3A_37 = arith.constant dense<0x7F800000> : vector<128xf32>
    %reduce_min3A_38 = vector.multi_reduction <minimumf>, %select_n3A_36, %reduce_min3A_37 [1] : vector<128x128xf32> to vector<128xf32>
    %broadcast_in_dim3A_39 = vector.shape_cast %reduce_min3A_38 : vector<128xf32> to vector<128x1xf32>
    %eq3A_40 = vector.broadcast %broadcast_in_dim3A_39 : vector<128x1xf32> to vector<128x128xf32>
    %eq3A_41 = arith.cmpf oeq, %select_n3A_36, %eq3A_40 : vector<128x128xf32>
    %jit3A_42 = arith.constant 128 : i32
    %broadcast_in_dim3A_43 = vector.broadcast %jit3A_42 : i32 to vector<128x128xi32>
    %select_n3A_44 = arith.select %eq3A_41, %iota3A, %broadcast_in_dim3A_43 : vector<128x128xi1>, vector<128x128xi32>
    %reduce_min3A_45 = arith.constant dense<2147483647> : vector<128xi32>
    %reduce_min3A_46 = vector.multi_reduction <minsi>, %select_n3A_44, %reduce_min3A_45 [1] : vector<128x128xi32> to vector<128xi32>
    %eq3A_47 = arith.constant 0 : i32
    %eq3A_48 = vector.broadcast %eq3A_47 : i32 to vector<128x20xi32>
    %eq3A_49 = arith.cmpi eq, %iota3A_22, %eq3A_48 : vector<128x20xi32>
    %broadcast_in_dim3A_50 = vector.shape_cast %reduce_min3A_46 : vector<128xi32> to vector<128x1xi32>
    %broadcast_in_dim3A_51 = vector.shape_cast %broadcast_in_dim3A_50 : vector<128x1xi32> to vector<128x1xi32>
    %broadcast_in_dim3A_52 = vector.broadcast %broadcast_in_dim3A_51 : vector<128x1xi32> to vector<128x20xi32>
    %select_n3A_53 = arith.select %eq3A_49, %broadcast_in_dim3A_52, %broadcast_in_dim3A_24 : vector<128x20xi1>, vector<128x20xi32>
    %broadcast_in_dim3A_54 = vector.shape_cast %reduce_min3A_46 : vector<128xi32> to vector<128x1xi32>
    %eq3A_55 = vector.broadcast %broadcast_in_dim3A_54 : vector<128x1xi32> to vector<128x128xi32>
    %eq3A_56 = arith.cmpi eq, %iota3A, %eq3A_55 : vector<128x128xi32>
    %jit3A_57 = arith.constant 0x7F800000 : f32
    %broadcast_in_dim3A_58 = vector.broadcast %jit3A_57 : f32 to vector<128x128xf32>
    %select_n3A_59 = arith.select %eq3A_56, %broadcast_in_dim3A_58, %select_n3A_36 : vector<128x128xi1>, vector<128x128xf32>
    %reduce_min3A_60 = arith.constant dense<0x7F800000> : vector<128xf32>
    %reduce_min3A_61 = vector.multi_reduction <minimumf>, %select_n3A_59, %reduce_min3A_60 [1] : vector<128x128xf32> to vector<128xf32>
    %broadcast_in_dim3A_62 = vector.shape_cast %reduce_min3A_61 : vector<128xf32> to vector<128x1xf32>
    %eq3A_63 = vector.broadcast %broadcast_in_dim3A_62 : vector<128x1xf32> to vector<128x128xf32>
    %eq3A_64 = arith.cmpf oeq, %select_n3A_59, %eq3A_63 : vector<128x128xf32>
    %jit3A_65 = arith.constant 128 : i32
    %broadcast_in_dim3A_66 = vector.broadcast %jit3A_65 : i32 to vector<128x128xi32>
    %select_n3A_67 = arith.select %eq3A_64, %iota3A, %broadcast_in_dim3A_66 : vector<128x128xi1>, vector<128x128xi32>
    %reduce_min3A_68 = arith.constant dense<2147483647> : vector<128xi32>
    %reduce_min3A_69 = vector.multi_reduction <minsi>, %select_n3A_67, %reduce_min3A_68 [1] : vector<128x128xi32> to vector<128xi32>
    %eq3A_70 = arith.constant 1 : i32
    %eq3A_71 = vector.broadcast %eq3A_70 : i32 to vector<128x20xi32>
    %eq3A_72 = arith.cmpi eq, %iota3A_22, %eq3A_71 : vector<128x20xi32>
    %broadcast_in_dim3A_73 = vector.shape_cast %reduce_min3A_69 : vector<128xi32> to vector<128x1xi32>
    %broadcast_in_dim3A_74 = vector.shape_cast %broadcast_in_dim3A_73 : vector<128x1xi32> to vector<128x1xi32>
    %broadcast_in_dim3A_75 = vector.broadcast %broadcast_in_dim3A_74 : vector<128x1xi32> to vector<128x20xi32>
    %select_n3A_76 = arith.select %eq3A_72, %broadcast_in_dim3A_75, %select_n3A_53 : vector<128x20xi1>, vector<128x20xi32>
    %broadcast_in_dim3A_77 = vector.shape_cast %reduce_min3A_69 : vector<128xi32> to vector<128x1xi32>
    %eq3A_78 = vector.broadcast %broadcast_in_dim3A_77 : vector<128x1xi32> to vector<128x128xi32>
    %eq3A_79 = arith.cmpi eq, %iota3A, %eq3A_78 : vector<128x128xi32>
    %jit3A_80 = arith.constant 0x7F800000 : f32
    %broadcast_in_dim3A_81 = vector.broadcast %jit3A_80 : f32 to vector<128x128xf32>
    %select_n3A_82 = arith.select %eq3A_79, %broadcast_in_dim3A_81, %select_n3A_59 : vector<128x128xi1>, vector<128x128xf32>
    %reduce_min3A_83 = arith.constant dense<0x7F800000> : vector<128xf32>
    %reduce_min3A_84 = vector.multi_reduction <minimumf>, %select_n3A_82, %reduce_min3A_83 [1] : vector<128x128xf32> to vector<128xf32>
    %broadcast_in_dim3A_85 = vector.shape_cast %reduce_min3A_84 : vector<128xf32> to vector<128x1xf32>
    %eq3A_86 = vector.broadcast %broadcast_in_dim3A_85 : vector<128x1xf32> to vector<128x128xf32>
    %eq3A_87 = arith.cmpf oeq, %select_n3A_82, %eq3A_86 : vector<128x128xf32>
    %jit3A_88 = arith.constant 128 : i32
    %broadcast_in_dim3A_89 = vector.broadcast %jit3A_88 : i32 to vector<128x128xi32>
    %select_n3A_90 = arith.select %eq3A_87, %iota3A, %broadcast_in_dim3A_89 : vector<128x128xi1>, vector<128x128xi32>
    %reduce_min3A_91 = arith.constant dense<2147483647> : vector<128xi32>
    %reduce_min3A_92 = vector.multi_reduction <minsi>, %select_n3A_90, %reduce_min3A_91 [1] : vector<128x128xi32> to vector<128xi32>
    %eq3A_93 = arith.constant 2 : i32
    %eq3A_94 = vector.broadcast %eq3A_93 : i32 to vector<128x20xi32>
    %eq3A_95 = arith.cmpi eq, %iota3A_22, %eq3A_94 : vector<128x20xi32>
    %broadcast_in_dim3A_96 = vector.shape_cast %reduce_min3A_92 : vector<128xi32> to vector<128x1xi32>
    %broadcast_in_dim3A_97 = vector.shape_cast %broadcast_in_dim3A_96 : vector<128x1xi32> to vector<128x1xi32>
    %broadcast_in_dim3A_98 = vector.broadcast %broadcast_in_dim3A_97 : vector<128x1xi32> to vector<128x20xi32>
    %select_n3A_99 = arith.select %eq3A_95, %broadcast_in_dim3A_98, %select_n3A_76 : vector<128x20xi1>, vector<128x20xi32>
    %broadcast_in_dim3A_100 = vector.shape_cast %reduce_min3A_92 : vector<128xi32> to vector<128x1xi32>
    %eq3A_101 = vector.broadcast %broadcast_in_dim3A_100 : vector<128x1xi32> to vector<128x128xi32>
    %eq3A_102 = arith.cmpi eq, %iota3A, %eq3A_101 : vector<128x128xi32>
    %jit3A_103 = arith.constant 0x7F800000 : f32
    %broadcast_in_dim3A_104 = vector.broadcast %jit3A_103 : f32 to vector<128x128xf32>
    %select_n3A_105 = arith.select %eq3A_102, %broadcast_in_dim3A_104, %select_n3A_82 : vector<128x128xi1>, vector<128x128xf32>
    %reduce_min3A_106 = arith.constant dense<0x7F800000> : vector<128xf32>
    %reduce_min3A_107 = vector.multi_reduction <minimumf>, %select_n3A_105, %reduce_min3A_106 [1] : vector<128x128xf32> to vector<128xf32>
    %broadcast_in_dim3A_108 = vector.shape_cast %reduce_min3A_107 : vector<128xf32> to vector<128x1xf32>
    %eq3A_109 = vector.broadcast %broadcast_in_dim3A_108 : vector<128x1xf32> to vector<128x128xf32>
    %eq3A_110 = arith.cmpf oeq, %select_n3A_105, %eq3A_109 : vector<128x128xf32>
    %jit3A_111 = arith.constant 128 : i32
    %broadcast_in_dim3A_112 = vector.broadcast %jit3A_111 : i32 to vector<128x128xi32>
    %select_n3A_113 = arith.select %eq3A_110, %iota3A, %broadcast_in_dim3A_112 : vector<128x128xi1>, vector<128x128xi32>
    %reduce_min3A_114 = arith.constant dense<2147483647> : vector<128xi32>
    %reduce_min3A_115 = vector.multi_reduction <minsi>, %select_n3A_113, %reduce_min3A_114 [1] : vector<128x128xi32> to vector<128xi32>
    %eq3A_116 = arith.constant 3 : i32
    %eq3A_117 = vector.broadcast %eq3A_116 : i32 to vector<128x20xi32>
    %eq3A_118 = arith.cmpi eq, %iota3A_22, %eq3A_117 : vector<128x20xi32>
    %broadcast_in_dim3A_119 = vector.shape_cast %reduce_min3A_115 : vector<128xi32> to vector<128x1xi32>
    %broadcast_in_dim3A_120 = vector.shape_cast %broadcast_in_dim3A_119 : vector<128x1xi32> to vector<128x1xi32>
    %broadcast_in_dim3A_121 = vector.broadcast %broadcast_in_dim3A_120 : vector<128x1xi32> to vector<128x20xi32>
    %select_n3A_122 = arith.select %eq3A_118, %broadcast_in_dim3A_121, %select_n3A_99 : vector<128x20xi1>, vector<128x20xi32>
    %broadcast_in_dim3A_123 = vector.shape_cast %reduce_min3A_115 : vector<128xi32> to vector<128x1xi32>
    %eq3A_124 = vector.broadcast %broadcast_in_dim3A_123 : vector<128x1xi32> to vector<128x128xi32>
    %eq3A_125 = arith.cmpi eq, %iota3A, %eq3A_124 : vector<128x128xi32>
    %jit3A_126 = arith.constant 0x7F800000 : f32
    %broadcast_in_dim3A_127 = vector.broadcast %jit3A_126 : f32 to vector<128x128xf32>
    %select_n3A_128 = arith.select %eq3A_125, %broadcast_in_dim3A_127, %select_n3A_105 : vector<128x128xi1>, vector<128x128xf32>
    %reduce_min3A_129 = arith.constant dense<0x7F800000> : vector<128xf32>
    %reduce_min3A_130 = vector.multi_reduction <minimumf>, %select_n3A_128, %reduce_min3A_129 [1] : vector<128x128xf32> to vector<128xf32>
    %broadcast_in_dim3A_131 = vector.shape_cast %reduce_min3A_130 : vector<128xf32> to vector<128x1xf32>
    %eq3A_132 = vector.broadcast %broadcast_in_dim3A_131 : vector<128x1xf32> to vector<128x128xf32>
    %eq3A_133 = arith.cmpf oeq, %select_n3A_128, %eq3A_132 : vector<128x128xf32>
    %jit3A_134 = arith.constant 128 : i32
    %broadcast_in_dim3A_135 = vector.broadcast %jit3A_134 : i32 to vector<128x128xi32>
    %select_n3A_136 = arith.select %eq3A_133, %iota3A, %broadcast_in_dim3A_135 : vector<128x128xi1>, vector<128x128xi32>
    %reduce_min3A_137 = arith.constant dense<2147483647> : vector<128xi32>
    %reduce_min3A_138 = vector.multi_reduction <minsi>, %select_n3A_136, %reduce_min3A_137 [1] : vector<128x128xi32> to vector<128xi32>
    %eq3A_139 = arith.constant 4 : i32
    %eq3A_140 = vector.broadcast %eq3A_139 : i32 to vector<128x20xi32>
    %eq3A_141 = arith.cmpi eq, %iota3A_22, %eq3A_140 : vector<128x20xi32>
    %broadcast_in_dim3A_142 = vector.shape_cast %reduce_min3A_138 : vector<128xi32> to vector<128x1xi32>
    %broadcast_in_dim3A_143 = vector.shape_cast %broadcast_in_dim3A_142 : vector<128x1xi32> to vector<128x1xi32>
    %broadcast_in_dim3A_144 = vector.broadcast %broadcast_in_dim3A_143 : vector<128x1xi32> to vector<128x20xi32>
    %select_n3A_145 = arith.select %eq3A_141, %broadcast_in_dim3A_144, %select_n3A_122 : vector<128x20xi1>, vector<128x20xi32>
    %broadcast_in_dim3A_146 = vector.shape_cast %reduce_min3A_138 : vector<128xi32> to vector<128x1xi32>
    %eq3A_147 = vector.broadcast %broadcast_in_dim3A_146 : vector<128x1xi32> to vector<128x128xi32>
    %eq3A_148 = arith.cmpi eq, %iota3A, %eq3A_147 : vector<128x128xi32>
    %jit3A_149 = arith.constant 0x7F800000 : f32
    %broadcast_in_dim3A_150 = vector.broadcast %jit3A_149 : f32 to vector<128x128xf32>
    %select_n3A_151 = arith.select %eq3A_148, %broadcast_in_dim3A_150, %select_n3A_128 : vector<128x128xi1>, vector<128x128xf32>
    %reduce_min3A_152 = arith.constant dense<0x7F800000> : vector<128xf32>
    %reduce_min3A_153 = vector.multi_reduction <minimumf>, %select_n3A_151, %reduce_min3A_152 [1] : vector<128x128xf32> to vector<128xf32>
    %broadcast_in_dim3A_154 = vector.shape_cast %reduce_min3A_153 : vector<128xf32> to vector<128x1xf32>
    %eq3A_155 = vector.broadcast %broadcast_in_dim3A_154 : vector<128x1xf32> to vector<128x128xf32>
    %eq3A_156 = arith.cmpf oeq, %select_n3A_151, %eq3A_155 : vector<128x128xf32>
    %jit3A_157 = arith.constant 128 : i32
    %broadcast_in_dim3A_158 = vector.broadcast %jit3A_157 : i32 to vector<128x128xi32>
    %select_n3A_159 = arith.select %eq3A_156, %iota3A, %broadcast_in_dim3A_158 : vector<128x128xi1>, vector<128x128xi32>
    %reduce_min3A_160 = arith.constant dense<2147483647> : vector<128xi32>
    %reduce_min3A_161 = vector.multi_reduction <minsi>, %select_n3A_159, %reduce_min3A_160 [1] : vector<128x128xi32> to vector<128xi32>
    %eq3A_162 = arith.constant 5 : i32
    %eq3A_163 = vector.broadcast %eq3A_162 : i32 to vector<128x20xi32>
    %eq3A_164 = arith.cmpi eq, %iota3A_22, %eq3A_163 : vector<128x20xi32>
    %broadcast_in_dim3A_165 = vector.shape_cast %reduce_min3A_161 : vector<128xi32> to vector<128x1xi32>
    %broadcast_in_dim3A_166 = vector.shape_cast %broadcast_in_dim3A_165 : vector<128x1xi32> to vector<128x1xi32>
    %broadcast_in_dim3A_167 = vector.broadcast %broadcast_in_dim3A_166 : vector<128x1xi32> to vector<128x20xi32>
    %select_n3A_168 = arith.select %eq3A_164, %broadcast_in_dim3A_167, %select_n3A_145 : vector<128x20xi1>, vector<128x20xi32>
    %broadcast_in_dim3A_169 = vector.shape_cast %reduce_min3A_161 : vector<128xi32> to vector<128x1xi32>
    %eq3A_170 = vector.broadcast %broadcast_in_dim3A_169 : vector<128x1xi32> to vector<128x128xi32>
    %eq3A_171 = arith.cmpi eq, %iota3A, %eq3A_170 : vector<128x128xi32>
    %jit3A_172 = arith.constant 0x7F800000 : f32
    %broadcast_in_dim3A_173 = vector.broadcast %jit3A_172 : f32 to vector<128x128xf32>
    %select_n3A_174 = arith.select %eq3A_171, %broadcast_in_dim3A_173, %select_n3A_151 : vector<128x128xi1>, vector<128x128xf32>
    %reduce_min3A_175 = arith.constant dense<0x7F800000> : vector<128xf32>
    %reduce_min3A_176 = vector.multi_reduction <minimumf>, %select_n3A_174, %reduce_min3A_175 [1] : vector<128x128xf32> to vector<128xf32>
    %broadcast_in_dim3A_177 = vector.shape_cast %reduce_min3A_176 : vector<128xf32> to vector<128x1xf32>
    %eq3A_178 = vector.broadcast %broadcast_in_dim3A_177 : vector<128x1xf32> to vector<128x128xf32>
    %eq3A_179 = arith.cmpf oeq, %select_n3A_174, %eq3A_178 : vector<128x128xf32>
    %jit3A_180 = arith.constant 128 : i32
    %broadcast_in_dim3A_181 = vector.broadcast %jit3A_180 : i32 to vector<128x128xi32>
    %select_n3A_182 = arith.select %eq3A_179, %iota3A, %broadcast_in_dim3A_181 : vector<128x128xi1>, vector<128x128xi32>
    %reduce_min3A_183 = arith.constant dense<2147483647> : vector<128xi32>
    %reduce_min3A_184 = vector.multi_reduction <minsi>, %select_n3A_182, %reduce_min3A_183 [1] : vector<128x128xi32> to vector<128xi32>
    %eq3A_185 = arith.constant 6 : i32
    %eq3A_186 = vector.broadcast %eq3A_185 : i32 to vector<128x20xi32>
    %eq3A_187 = arith.cmpi eq, %iota3A_22, %eq3A_186 : vector<128x20xi32>
    %broadcast_in_dim3A_188 = vector.shape_cast %reduce_min3A_184 : vector<128xi32> to vector<128x1xi32>
    %broadcast_in_dim3A_189 = vector.shape_cast %broadcast_in_dim3A_188 : vector<128x1xi32> to vector<128x1xi32>
    %broadcast_in_dim3A_190 = vector.broadcast %broadcast_in_dim3A_189 : vector<128x1xi32> to vector<128x20xi32>
    %select_n3A_191 = arith.select %eq3A_187, %broadcast_in_dim3A_190, %select_n3A_168 : vector<128x20xi1>, vector<128x20xi32>
    %broadcast_in_dim3A_192 = vector.shape_cast %reduce_min3A_184 : vector<128xi32> to vector<128x1xi32>
    %eq3A_193 = vector.broadcast %broadcast_in_dim3A_192 : vector<128x1xi32> to vector<128x128xi32>
    %eq3A_194 = arith.cmpi eq, %iota3A, %eq3A_193 : vector<128x128xi32>
    %jit3A_195 = arith.constant 0x7F800000 : f32
    %broadcast_in_dim3A_196 = vector.broadcast %jit3A_195 : f32 to vector<128x128xf32>
    %select_n3A_197 = arith.select %eq3A_194, %broadcast_in_dim3A_196, %select_n3A_174 : vector<128x128xi1>, vector<128x128xf32>
    %reduce_min3A_198 = arith.constant dense<0x7F800000> : vector<128xf32>
    %reduce_min3A_199 = vector.multi_reduction <minimumf>, %select_n3A_197, %reduce_min3A_198 [1] : vector<128x128xf32> to vector<128xf32>
    %broadcast_in_dim3A_200 = vector.shape_cast %reduce_min3A_199 : vector<128xf32> to vector<128x1xf32>
    %eq3A_201 = vector.broadcast %broadcast_in_dim3A_200 : vector<128x1xf32> to vector<128x128xf32>
    %eq3A_202 = arith.cmpf oeq, %select_n3A_197, %eq3A_201 : vector<128x128xf32>
    %jit3A_203 = arith.constant 128 : i32
    %broadcast_in_dim3A_204 = vector.broadcast %jit3A_203 : i32 to vector<128x128xi32>
    %select_n3A_205 = arith.select %eq3A_202, %iota3A, %broadcast_in_dim3A_204 : vector<128x128xi1>, vector<128x128xi32>
    %reduce_min3A_206 = arith.constant dense<2147483647> : vector<128xi32>
    %reduce_min3A_207 = vector.multi_reduction <minsi>, %select_n3A_205, %reduce_min3A_206 [1] : vector<128x128xi32> to vector<128xi32>
    %eq3A_208 = arith.constant 7 : i32
    %eq3A_209 = vector.broadcast %eq3A_208 : i32 to vector<128x20xi32>
    %eq3A_210 = arith.cmpi eq, %iota3A_22, %eq3A_209 : vector<128x20xi32>
    %broadcast_in_dim3A_211 = vector.shape_cast %reduce_min3A_207 : vector<128xi32> to vector<128x1xi32>
    %broadcast_in_dim3A_212 = vector.shape_cast %broadcast_in_dim3A_211 : vector<128x1xi32> to vector<128x1xi32>
    %broadcast_in_dim3A_213 = vector.broadcast %broadcast_in_dim3A_212 : vector<128x1xi32> to vector<128x20xi32>
    %select_n3A_214 = arith.select %eq3A_210, %broadcast_in_dim3A_213, %select_n3A_191 : vector<128x20xi1>, vector<128x20xi32>
    %broadcast_in_dim3A_215 = vector.shape_cast %reduce_min3A_207 : vector<128xi32> to vector<128x1xi32>
    %eq3A_216 = vector.broadcast %broadcast_in_dim3A_215 : vector<128x1xi32> to vector<128x128xi32>
    %eq3A_217 = arith.cmpi eq, %iota3A, %eq3A_216 : vector<128x128xi32>
    %jit3A_218 = arith.constant 0x7F800000 : f32
    %broadcast_in_dim3A_219 = vector.broadcast %jit3A_218 : f32 to vector<128x128xf32>
    %select_n3A_220 = arith.select %eq3A_217, %broadcast_in_dim3A_219, %select_n3A_197 : vector<128x128xi1>, vector<128x128xf32>
    %reduce_min3A_221 = arith.constant dense<0x7F800000> : vector<128xf32>
    %reduce_min3A_222 = vector.multi_reduction <minimumf>, %select_n3A_220, %reduce_min3A_221 [1] : vector<128x128xf32> to vector<128xf32>
    %broadcast_in_dim3A_223 = vector.shape_cast %reduce_min3A_222 : vector<128xf32> to vector<128x1xf32>
    %eq3A_224 = vector.broadcast %broadcast_in_dim3A_223 : vector<128x1xf32> to vector<128x128xf32>
    %eq3A_225 = arith.cmpf oeq, %select_n3A_220, %eq3A_224 : vector<128x128xf32>
    %jit3A_226 = arith.constant 128 : i32
    %broadcast_in_dim3A_227 = vector.broadcast %jit3A_226 : i32 to vector<128x128xi32>
    %select_n3A_228 = arith.select %eq3A_225, %iota3A, %broadcast_in_dim3A_227 : vector<128x128xi1>, vector<128x128xi32>
    %reduce_min3A_229 = arith.constant dense<2147483647> : vector<128xi32>
    %reduce_min3A_230 = vector.multi_reduction <minsi>, %select_n3A_228, %reduce_min3A_229 [1] : vector<128x128xi32> to vector<128xi32>
    %eq3A_231 = arith.constant 8 : i32
    %eq3A_232 = vector.broadcast %eq3A_231 : i32 to vector<128x20xi32>
    %eq3A_233 = arith.cmpi eq, %iota3A_22, %eq3A_232 : vector<128x20xi32>
    %broadcast_in_dim3A_234 = vector.shape_cast %reduce_min3A_230 : vector<128xi32> to vector<128x1xi32>
    %broadcast_in_dim3A_235 = vector.shape_cast %broadcast_in_dim3A_234 : vector<128x1xi32> to vector<128x1xi32>
    %broadcast_in_dim3A_236 = vector.broadcast %broadcast_in_dim3A_235 : vector<128x1xi32> to vector<128x20xi32>
    %select_n3A_237 = arith.select %eq3A_233, %broadcast_in_dim3A_236, %select_n3A_214 : vector<128x20xi1>, vector<128x20xi32>
    %broadcast_in_dim3A_238 = vector.shape_cast %reduce_min3A_230 : vector<128xi32> to vector<128x1xi32>
    %eq3A_239 = vector.broadcast %broadcast_in_dim3A_238 : vector<128x1xi32> to vector<128x128xi32>
    %eq3A_240 = arith.cmpi eq, %iota3A, %eq3A_239 : vector<128x128xi32>
    %jit3A_241 = arith.constant 0x7F800000 : f32
    %broadcast_in_dim3A_242 = vector.broadcast %jit3A_241 : f32 to vector<128x128xf32>
    %select_n3A_243 = arith.select %eq3A_240, %broadcast_in_dim3A_242, %select_n3A_220 : vector<128x128xi1>, vector<128x128xf32>
    %reduce_min3A_244 = arith.constant dense<0x7F800000> : vector<128xf32>
    %reduce_min3A_245 = vector.multi_reduction <minimumf>, %select_n3A_243, %reduce_min3A_244 [1] : vector<128x128xf32> to vector<128xf32>
    %broadcast_in_dim3A_246 = vector.shape_cast %reduce_min3A_245 : vector<128xf32> to vector<128x1xf32>
    %eq3A_247 = vector.broadcast %broadcast_in_dim3A_246 : vector<128x1xf32> to vector<128x128xf32>
    %eq3A_248 = arith.cmpf oeq, %select_n3A_243, %eq3A_247 : vector<128x128xf32>
    %jit3A_249 = arith.constant 128 : i32
    %broadcast_in_dim3A_250 = vector.broadcast %jit3A_249 : i32 to vector<128x128xi32>
    %select_n3A_251 = arith.select %eq3A_248, %iota3A, %broadcast_in_dim3A_250 : vector<128x128xi1>, vector<128x128xi32>
    %reduce_min3A_252 = arith.constant dense<2147483647> : vector<128xi32>
    %reduce_min3A_253 = vector.multi_reduction <minsi>, %select_n3A_251, %reduce_min3A_252 [1] : vector<128x128xi32> to vector<128xi32>
    %eq3A_254 = arith.constant 9 : i32
    %eq3A_255 = vector.broadcast %eq3A_254 : i32 to vector<128x20xi32>
    %eq3A_256 = arith.cmpi eq, %iota3A_22, %eq3A_255 : vector<128x20xi32>
    %broadcast_in_dim3A_257 = vector.shape_cast %reduce_min3A_253 : vector<128xi32> to vector<128x1xi32>
    %broadcast_in_dim3A_258 = vector.shape_cast %broadcast_in_dim3A_257 : vector<128x1xi32> to vector<128x1xi32>
    %broadcast_in_dim3A_259 = vector.broadcast %broadcast_in_dim3A_258 : vector<128x1xi32> to vector<128x20xi32>
    %select_n3A_260 = arith.select %eq3A_256, %broadcast_in_dim3A_259, %select_n3A_237 : vector<128x20xi1>, vector<128x20xi32>
    %broadcast_in_dim3A_261 = vector.shape_cast %reduce_min3A_253 : vector<128xi32> to vector<128x1xi32>
    %eq3A_262 = vector.broadcast %broadcast_in_dim3A_261 : vector<128x1xi32> to vector<128x128xi32>
    %eq3A_263 = arith.cmpi eq, %iota3A, %eq3A_262 : vector<128x128xi32>
    %jit3A_264 = arith.constant 0x7F800000 : f32
    %broadcast_in_dim3A_265 = vector.broadcast %jit3A_264 : f32 to vector<128x128xf32>
    %select_n3A_266 = arith.select %eq3A_263, %broadcast_in_dim3A_265, %select_n3A_243 : vector<128x128xi1>, vector<128x128xf32>
    %reduce_min3A_267 = arith.constant dense<0x7F800000> : vector<128xf32>
    %reduce_min3A_268 = vector.multi_reduction <minimumf>, %select_n3A_266, %reduce_min3A_267 [1] : vector<128x128xf32> to vector<128xf32>
    %broadcast_in_dim3A_269 = vector.shape_cast %reduce_min3A_268 : vector<128xf32> to vector<128x1xf32>
    %eq3A_270 = vector.broadcast %broadcast_in_dim3A_269 : vector<128x1xf32> to vector<128x128xf32>
    %eq3A_271 = arith.cmpf oeq, %select_n3A_266, %eq3A_270 : vector<128x128xf32>
    %jit3A_272 = arith.constant 128 : i32
    %broadcast_in_dim3A_273 = vector.broadcast %jit3A_272 : i32 to vector<128x128xi32>
    %select_n3A_274 = arith.select %eq3A_271, %iota3A, %broadcast_in_dim3A_273 : vector<128x128xi1>, vector<128x128xi32>
    %reduce_min3A_275 = arith.constant dense<2147483647> : vector<128xi32>
    %reduce_min3A_276 = vector.multi_reduction <minsi>, %select_n3A_274, %reduce_min3A_275 [1] : vector<128x128xi32> to vector<128xi32>
    %eq3A_277 = arith.constant 10 : i32
    %eq3A_278 = vector.broadcast %eq3A_277 : i32 to vector<128x20xi32>
    %eq3A_279 = arith.cmpi eq, %iota3A_22, %eq3A_278 : vector<128x20xi32>
    %broadcast_in_dim3A_280 = vector.shape_cast %reduce_min3A_276 : vector<128xi32> to vector<128x1xi32>
    %broadcast_in_dim3A_281 = vector.shape_cast %broadcast_in_dim3A_280 : vector<128x1xi32> to vector<128x1xi32>
    %broadcast_in_dim3A_282 = vector.broadcast %broadcast_in_dim3A_281 : vector<128x1xi32> to vector<128x20xi32>
    %select_n3A_283 = arith.select %eq3A_279, %broadcast_in_dim3A_282, %select_n3A_260 : vector<128x20xi1>, vector<128x20xi32>
    %broadcast_in_dim3A_284 = vector.shape_cast %reduce_min3A_276 : vector<128xi32> to vector<128x1xi32>
    %eq3A_285 = vector.broadcast %broadcast_in_dim3A_284 : vector<128x1xi32> to vector<128x128xi32>
    %eq3A_286 = arith.cmpi eq, %iota3A, %eq3A_285 : vector<128x128xi32>
    %jit3A_287 = arith.constant 0x7F800000 : f32
    %broadcast_in_dim3A_288 = vector.broadcast %jit3A_287 : f32 to vector<128x128xf32>
    %select_n3A_289 = arith.select %eq3A_286, %broadcast_in_dim3A_288, %select_n3A_266 : vector<128x128xi1>, vector<128x128xf32>
    %reduce_min3A_290 = arith.constant dense<0x7F800000> : vector<128xf32>
    %reduce_min3A_291 = vector.multi_reduction <minimumf>, %select_n3A_289, %reduce_min3A_290 [1] : vector<128x128xf32> to vector<128xf32>
    %broadcast_in_dim3A_292 = vector.shape_cast %reduce_min3A_291 : vector<128xf32> to vector<128x1xf32>
    %eq3A_293 = vector.broadcast %broadcast_in_dim3A_292 : vector<128x1xf32> to vector<128x128xf32>
    %eq3A_294 = arith.cmpf oeq, %select_n3A_289, %eq3A_293 : vector<128x128xf32>
    %jit3A_295 = arith.constant 128 : i32
    %broadcast_in_dim3A_296 = vector.broadcast %jit3A_295 : i32 to vector<128x128xi32>
    %select_n3A_297 = arith.select %eq3A_294, %iota3A, %broadcast_in_dim3A_296 : vector<128x128xi1>, vector<128x128xi32>
    %reduce_min3A_298 = arith.constant dense<2147483647> : vector<128xi32>
    %reduce_min3A_299 = vector.multi_reduction <minsi>, %select_n3A_297, %reduce_min3A_298 [1] : vector<128x128xi32> to vector<128xi32>
    %eq3A_300 = arith.constant 11 : i32
    %eq3A_301 = vector.broadcast %eq3A_300 : i32 to vector<128x20xi32>
    %eq3A_302 = arith.cmpi eq, %iota3A_22, %eq3A_301 : vector<128x20xi32>
    %broadcast_in_dim3A_303 = vector.shape_cast %reduce_min3A_299 : vector<128xi32> to vector<128x1xi32>
    %broadcast_in_dim3A_304 = vector.shape_cast %broadcast_in_dim3A_303 : vector<128x1xi32> to vector<128x1xi32>
    %broadcast_in_dim3A_305 = vector.broadcast %broadcast_in_dim3A_304 : vector<128x1xi32> to vector<128x20xi32>
    %select_n3A_306 = arith.select %eq3A_302, %broadcast_in_dim3A_305, %select_n3A_283 : vector<128x20xi1>, vector<128x20xi32>
    %broadcast_in_dim3A_307 = vector.shape_cast %reduce_min3A_299 : vector<128xi32> to vector<128x1xi32>
    %eq3A_308 = vector.broadcast %broadcast_in_dim3A_307 : vector<128x1xi32> to vector<128x128xi32>
    %eq3A_309 = arith.cmpi eq, %iota3A, %eq3A_308 : vector<128x128xi32>
    %jit3A_310 = arith.constant 0x7F800000 : f32
    %broadcast_in_dim3A_311 = vector.broadcast %jit3A_310 : f32 to vector<128x128xf32>
    %select_n3A_312 = arith.select %eq3A_309, %broadcast_in_dim3A_311, %select_n3A_289 : vector<128x128xi1>, vector<128x128xf32>
    %reduce_min3A_313 = arith.constant dense<0x7F800000> : vector<128xf32>
    %reduce_min3A_314 = vector.multi_reduction <minimumf>, %select_n3A_312, %reduce_min3A_313 [1] : vector<128x128xf32> to vector<128xf32>
    %broadcast_in_dim3A_315 = vector.shape_cast %reduce_min3A_314 : vector<128xf32> to vector<128x1xf32>
    %eq3A_316 = vector.broadcast %broadcast_in_dim3A_315 : vector<128x1xf32> to vector<128x128xf32>
    %eq3A_317 = arith.cmpf oeq, %select_n3A_312, %eq3A_316 : vector<128x128xf32>
    %jit3A_318 = arith.constant 128 : i32
    %broadcast_in_dim3A_319 = vector.broadcast %jit3A_318 : i32 to vector<128x128xi32>
    %select_n3A_320 = arith.select %eq3A_317, %iota3A, %broadcast_in_dim3A_319 : vector<128x128xi1>, vector<128x128xi32>
    %reduce_min3A_321 = arith.constant dense<2147483647> : vector<128xi32>
    %reduce_min3A_322 = vector.multi_reduction <minsi>, %select_n3A_320, %reduce_min3A_321 [1] : vector<128x128xi32> to vector<128xi32>
    %eq3A_323 = arith.constant 12 : i32
    %eq3A_324 = vector.broadcast %eq3A_323 : i32 to vector<128x20xi32>
    %eq3A_325 = arith.cmpi eq, %iota3A_22, %eq3A_324 : vector<128x20xi32>
    %broadcast_in_dim3A_326 = vector.shape_cast %reduce_min3A_322 : vector<128xi32> to vector<128x1xi32>
    %broadcast_in_dim3A_327 = vector.shape_cast %broadcast_in_dim3A_326 : vector<128x1xi32> to vector<128x1xi32>
    %broadcast_in_dim3A_328 = vector.broadcast %broadcast_in_dim3A_327 : vector<128x1xi32> to vector<128x20xi32>
    %select_n3A_329 = arith.select %eq3A_325, %broadcast_in_dim3A_328, %select_n3A_306 : vector<128x20xi1>, vector<128x20xi32>
    %broadcast_in_dim3A_330 = vector.shape_cast %reduce_min3A_322 : vector<128xi32> to vector<128x1xi32>
    %eq3A_331 = vector.broadcast %broadcast_in_dim3A_330 : vector<128x1xi32> to vector<128x128xi32>
    %eq3A_332 = arith.cmpi eq, %iota3A, %eq3A_331 : vector<128x128xi32>
    %jit3A_333 = arith.constant 0x7F800000 : f32
    %broadcast_in_dim3A_334 = vector.broadcast %jit3A_333 : f32 to vector<128x128xf32>
    %select_n3A_335 = arith.select %eq3A_332, %broadcast_in_dim3A_334, %select_n3A_312 : vector<128x128xi1>, vector<128x128xf32>
    %reduce_min3A_336 = arith.constant dense<0x7F800000> : vector<128xf32>
    %reduce_min3A_337 = vector.multi_reduction <minimumf>, %select_n3A_335, %reduce_min3A_336 [1] : vector<128x128xf32> to vector<128xf32>
    %broadcast_in_dim3A_338 = vector.shape_cast %reduce_min3A_337 : vector<128xf32> to vector<128x1xf32>
    %eq3A_339 = vector.broadcast %broadcast_in_dim3A_338 : vector<128x1xf32> to vector<128x128xf32>
    %eq3A_340 = arith.cmpf oeq, %select_n3A_335, %eq3A_339 : vector<128x128xf32>
    %jit3A_341 = arith.constant 128 : i32
    %broadcast_in_dim3A_342 = vector.broadcast %jit3A_341 : i32 to vector<128x128xi32>
    %select_n3A_343 = arith.select %eq3A_340, %iota3A, %broadcast_in_dim3A_342 : vector<128x128xi1>, vector<128x128xi32>
    %reduce_min3A_344 = arith.constant dense<2147483647> : vector<128xi32>
    %reduce_min3A_345 = vector.multi_reduction <minsi>, %select_n3A_343, %reduce_min3A_344 [1] : vector<128x128xi32> to vector<128xi32>
    %eq3A_346 = arith.constant 13 : i32
    %eq3A_347 = vector.broadcast %eq3A_346 : i32 to vector<128x20xi32>
    %eq3A_348 = arith.cmpi eq, %iota3A_22, %eq3A_347 : vector<128x20xi32>
    %broadcast_in_dim3A_349 = vector.shape_cast %reduce_min3A_345 : vector<128xi32> to vector<128x1xi32>
    %broadcast_in_dim3A_350 = vector.shape_cast %broadcast_in_dim3A_349 : vector<128x1xi32> to vector<128x1xi32>
    %broadcast_in_dim3A_351 = vector.broadcast %broadcast_in_dim3A_350 : vector<128x1xi32> to vector<128x20xi32>
    %select_n3A_352 = arith.select %eq3A_348, %broadcast_in_dim3A_351, %select_n3A_329 : vector<128x20xi1>, vector<128x20xi32>
    %broadcast_in_dim3A_353 = vector.shape_cast %reduce_min3A_345 : vector<128xi32> to vector<128x1xi32>
    %eq3A_354 = vector.broadcast %broadcast_in_dim3A_353 : vector<128x1xi32> to vector<128x128xi32>
    %eq3A_355 = arith.cmpi eq, %iota3A, %eq3A_354 : vector<128x128xi32>
    %jit3A_356 = arith.constant 0x7F800000 : f32
    %broadcast_in_dim3A_357 = vector.broadcast %jit3A_356 : f32 to vector<128x128xf32>
    %select_n3A_358 = arith.select %eq3A_355, %broadcast_in_dim3A_357, %select_n3A_335 : vector<128x128xi1>, vector<128x128xf32>
    %reduce_min3A_359 = arith.constant dense<0x7F800000> : vector<128xf32>
    %reduce_min3A_360 = vector.multi_reduction <minimumf>, %select_n3A_358, %reduce_min3A_359 [1] : vector<128x128xf32> to vector<128xf32>
    %broadcast_in_dim3A_361 = vector.shape_cast %reduce_min3A_360 : vector<128xf32> to vector<128x1xf32>
    %eq3A_362 = vector.broadcast %broadcast_in_dim3A_361 : vector<128x1xf32> to vector<128x128xf32>
    %eq3A_363 = arith.cmpf oeq, %select_n3A_358, %eq3A_362 : vector<128x128xf32>
    %jit3A_364 = arith.constant 128 : i32
    %broadcast_in_dim3A_365 = vector.broadcast %jit3A_364 : i32 to vector<128x128xi32>
    %select_n3A_366 = arith.select %eq3A_363, %iota3A, %broadcast_in_dim3A_365 : vector<128x128xi1>, vector<128x128xi32>
    %reduce_min3A_367 = arith.constant dense<2147483647> : vector<128xi32>
    %reduce_min3A_368 = vector.multi_reduction <minsi>, %select_n3A_366, %reduce_min3A_367 [1] : vector<128x128xi32> to vector<128xi32>
    %eq3A_369 = arith.constant 14 : i32
    %eq3A_370 = vector.broadcast %eq3A_369 : i32 to vector<128x20xi32>
    %eq3A_371 = arith.cmpi eq, %iota3A_22, %eq3A_370 : vector<128x20xi32>
    %broadcast_in_dim3A_372 = vector.shape_cast %reduce_min3A_368 : vector<128xi32> to vector<128x1xi32>
    %broadcast_in_dim3A_373 = vector.shape_cast %broadcast_in_dim3A_372 : vector<128x1xi32> to vector<128x1xi32>
    %broadcast_in_dim3A_374 = vector.broadcast %broadcast_in_dim3A_373 : vector<128x1xi32> to vector<128x20xi32>
    %select_n3A_375 = arith.select %eq3A_371, %broadcast_in_dim3A_374, %select_n3A_352 : vector<128x20xi1>, vector<128x20xi32>
    %broadcast_in_dim3A_376 = vector.shape_cast %reduce_min3A_368 : vector<128xi32> to vector<128x1xi32>
    %eq3A_377 = vector.broadcast %broadcast_in_dim3A_376 : vector<128x1xi32> to vector<128x128xi32>
    %eq3A_378 = arith.cmpi eq, %iota3A, %eq3A_377 : vector<128x128xi32>
    %jit3A_379 = arith.constant 0x7F800000 : f32
    %broadcast_in_dim3A_380 = vector.broadcast %jit3A_379 : f32 to vector<128x128xf32>
    %select_n3A_381 = arith.select %eq3A_378, %broadcast_in_dim3A_380, %select_n3A_358 : vector<128x128xi1>, vector<128x128xf32>
    %reduce_min3A_382 = arith.constant dense<0x7F800000> : vector<128xf32>
    %reduce_min3A_383 = vector.multi_reduction <minimumf>, %select_n3A_381, %reduce_min3A_382 [1] : vector<128x128xf32> to vector<128xf32>
    %broadcast_in_dim3A_384 = vector.shape_cast %reduce_min3A_383 : vector<128xf32> to vector<128x1xf32>
    %eq3A_385 = vector.broadcast %broadcast_in_dim3A_384 : vector<128x1xf32> to vector<128x128xf32>
    %eq3A_386 = arith.cmpf oeq, %select_n3A_381, %eq3A_385 : vector<128x128xf32>
    %jit3A_387 = arith.constant 128 : i32
    %broadcast_in_dim3A_388 = vector.broadcast %jit3A_387 : i32 to vector<128x128xi32>
    %select_n3A_389 = arith.select %eq3A_386, %iota3A, %broadcast_in_dim3A_388 : vector<128x128xi1>, vector<128x128xi32>
    %reduce_min3A_390 = arith.constant dense<2147483647> : vector<128xi32>
    %reduce_min3A_391 = vector.multi_reduction <minsi>, %select_n3A_389, %reduce_min3A_390 [1] : vector<128x128xi32> to vector<128xi32>
    %eq3A_392 = arith.constant 15 : i32
    %eq3A_393 = vector.broadcast %eq3A_392 : i32 to vector<128x20xi32>
    %eq3A_394 = arith.cmpi eq, %iota3A_22, %eq3A_393 : vector<128x20xi32>
    %broadcast_in_dim3A_395 = vector.shape_cast %reduce_min3A_391 : vector<128xi32> to vector<128x1xi32>
    %broadcast_in_dim3A_396 = vector.shape_cast %broadcast_in_dim3A_395 : vector<128x1xi32> to vector<128x1xi32>
    %broadcast_in_dim3A_397 = vector.broadcast %broadcast_in_dim3A_396 : vector<128x1xi32> to vector<128x20xi32>
    %select_n3A_398 = arith.select %eq3A_394, %broadcast_in_dim3A_397, %select_n3A_375 : vector<128x20xi1>, vector<128x20xi32>
    %broadcast_in_dim3A_399 = vector.shape_cast %reduce_min3A_391 : vector<128xi32> to vector<128x1xi32>
    %eq3A_400 = vector.broadcast %broadcast_in_dim3A_399 : vector<128x1xi32> to vector<128x128xi32>
    %eq3A_401 = arith.cmpi eq, %iota3A, %eq3A_400 : vector<128x128xi32>
    %jit3A_402 = arith.constant 0x7F800000 : f32
    %broadcast_in_dim3A_403 = vector.broadcast %jit3A_402 : f32 to vector<128x128xf32>
    %select_n3A_404 = arith.select %eq3A_401, %broadcast_in_dim3A_403, %select_n3A_381 : vector<128x128xi1>, vector<128x128xf32>
    %reduce_min3A_405 = arith.constant dense<0x7F800000> : vector<128xf32>
    %reduce_min3A_406 = vector.multi_reduction <minimumf>, %select_n3A_404, %reduce_min3A_405 [1] : vector<128x128xf32> to vector<128xf32>
    %broadcast_in_dim3A_407 = vector.shape_cast %reduce_min3A_406 : vector<128xf32> to vector<128x1xf32>
    %eq3A_408 = vector.broadcast %broadcast_in_dim3A_407 : vector<128x1xf32> to vector<128x128xf32>
    %eq3A_409 = arith.cmpf oeq, %select_n3A_404, %eq3A_408 : vector<128x128xf32>
    %jit3A_410 = arith.constant 128 : i32
    %broadcast_in_dim3A_411 = vector.broadcast %jit3A_410 : i32 to vector<128x128xi32>
    %select_n3A_412 = arith.select %eq3A_409, %iota3A, %broadcast_in_dim3A_411 : vector<128x128xi1>, vector<128x128xi32>
    %reduce_min3A_413 = arith.constant dense<2147483647> : vector<128xi32>
    %reduce_min3A_414 = vector.multi_reduction <minsi>, %select_n3A_412, %reduce_min3A_413 [1] : vector<128x128xi32> to vector<128xi32>
    %eq3A_415 = arith.constant 16 : i32
    %eq3A_416 = vector.broadcast %eq3A_415 : i32 to vector<128x20xi32>
    %eq3A_417 = arith.cmpi eq, %iota3A_22, %eq3A_416 : vector<128x20xi32>
    %broadcast_in_dim3A_418 = vector.shape_cast %reduce_min3A_414 : vector<128xi32> to vector<128x1xi32>
    %broadcast_in_dim3A_419 = vector.shape_cast %broadcast_in_dim3A_418 : vector<128x1xi32> to vector<128x1xi32>
    %broadcast_in_dim3A_420 = vector.broadcast %broadcast_in_dim3A_419 : vector<128x1xi32> to vector<128x20xi32>
    %select_n3A_421 = arith.select %eq3A_417, %broadcast_in_dim3A_420, %select_n3A_398 : vector<128x20xi1>, vector<128x20xi32>
    %broadcast_in_dim3A_422 = vector.shape_cast %reduce_min3A_414 : vector<128xi32> to vector<128x1xi32>
    %eq3A_423 = vector.broadcast %broadcast_in_dim3A_422 : vector<128x1xi32> to vector<128x128xi32>
    %eq3A_424 = arith.cmpi eq, %iota3A, %eq3A_423 : vector<128x128xi32>
    %jit3A_425 = arith.constant 0x7F800000 : f32
    %broadcast_in_dim3A_426 = vector.broadcast %jit3A_425 : f32 to vector<128x128xf32>
    %select_n3A_427 = arith.select %eq3A_424, %broadcast_in_dim3A_426, %select_n3A_404 : vector<128x128xi1>, vector<128x128xf32>
    %reduce_min3A_428 = arith.constant dense<0x7F800000> : vector<128xf32>
    %reduce_min3A_429 = vector.multi_reduction <minimumf>, %select_n3A_427, %reduce_min3A_428 [1] : vector<128x128xf32> to vector<128xf32>
    %broadcast_in_dim3A_430 = vector.shape_cast %reduce_min3A_429 : vector<128xf32> to vector<128x1xf32>
    %eq3A_431 = vector.broadcast %broadcast_in_dim3A_430 : vector<128x1xf32> to vector<128x128xf32>
    %eq3A_432 = arith.cmpf oeq, %select_n3A_427, %eq3A_431 : vector<128x128xf32>
    %jit3A_433 = arith.constant 128 : i32
    %broadcast_in_dim3A_434 = vector.broadcast %jit3A_433 : i32 to vector<128x128xi32>
    %select_n3A_435 = arith.select %eq3A_432, %iota3A, %broadcast_in_dim3A_434 : vector<128x128xi1>, vector<128x128xi32>
    %reduce_min3A_436 = arith.constant dense<2147483647> : vector<128xi32>
    %reduce_min3A_437 = vector.multi_reduction <minsi>, %select_n3A_435, %reduce_min3A_436 [1] : vector<128x128xi32> to vector<128xi32>
    %eq3A_438 = arith.constant 17 : i32
    %eq3A_439 = vector.broadcast %eq3A_438 : i32 to vector<128x20xi32>
    %eq3A_440 = arith.cmpi eq, %iota3A_22, %eq3A_439 : vector<128x20xi32>
    %broadcast_in_dim3A_441 = vector.shape_cast %reduce_min3A_437 : vector<128xi32> to vector<128x1xi32>
    %broadcast_in_dim3A_442 = vector.shape_cast %broadcast_in_dim3A_441 : vector<128x1xi32> to vector<128x1xi32>
    %broadcast_in_dim3A_443 = vector.broadcast %broadcast_in_dim3A_442 : vector<128x1xi32> to vector<128x20xi32>
    %select_n3A_444 = arith.select %eq3A_440, %broadcast_in_dim3A_443, %select_n3A_421 : vector<128x20xi1>, vector<128x20xi32>
    %broadcast_in_dim3A_445 = vector.shape_cast %reduce_min3A_437 : vector<128xi32> to vector<128x1xi32>
    %eq3A_446 = vector.broadcast %broadcast_in_dim3A_445 : vector<128x1xi32> to vector<128x128xi32>
    %eq3A_447 = arith.cmpi eq, %iota3A, %eq3A_446 : vector<128x128xi32>
    %jit3A_448 = arith.constant 0x7F800000 : f32
    %broadcast_in_dim3A_449 = vector.broadcast %jit3A_448 : f32 to vector<128x128xf32>
    %select_n3A_450 = arith.select %eq3A_447, %broadcast_in_dim3A_449, %select_n3A_427 : vector<128x128xi1>, vector<128x128xf32>
    %reduce_min3A_451 = arith.constant dense<0x7F800000> : vector<128xf32>
    %reduce_min3A_452 = vector.multi_reduction <minimumf>, %select_n3A_450, %reduce_min3A_451 [1] : vector<128x128xf32> to vector<128xf32>
    %broadcast_in_dim3A_453 = vector.shape_cast %reduce_min3A_452 : vector<128xf32> to vector<128x1xf32>
    %eq3A_454 = vector.broadcast %broadcast_in_dim3A_453 : vector<128x1xf32> to vector<128x128xf32>
    %eq3A_455 = arith.cmpf oeq, %select_n3A_450, %eq3A_454 : vector<128x128xf32>
    %jit3A_456 = arith.constant 128 : i32
    %broadcast_in_dim3A_457 = vector.broadcast %jit3A_456 : i32 to vector<128x128xi32>
    %select_n3A_458 = arith.select %eq3A_455, %iota3A, %broadcast_in_dim3A_457 : vector<128x128xi1>, vector<128x128xi32>
    %reduce_min3A_459 = arith.constant dense<2147483647> : vector<128xi32>
    %reduce_min3A_460 = vector.multi_reduction <minsi>, %select_n3A_458, %reduce_min3A_459 [1] : vector<128x128xi32> to vector<128xi32>
    %eq3A_461 = arith.constant 18 : i32
    %eq3A_462 = vector.broadcast %eq3A_461 : i32 to vector<128x20xi32>
    %eq3A_463 = arith.cmpi eq, %iota3A_22, %eq3A_462 : vector<128x20xi32>
    %broadcast_in_dim3A_464 = vector.shape_cast %reduce_min3A_460 : vector<128xi32> to vector<128x1xi32>
    %broadcast_in_dim3A_465 = vector.shape_cast %broadcast_in_dim3A_464 : vector<128x1xi32> to vector<128x1xi32>
    %broadcast_in_dim3A_466 = vector.broadcast %broadcast_in_dim3A_465 : vector<128x1xi32> to vector<128x20xi32>
    %select_n3A_467 = arith.select %eq3A_463, %broadcast_in_dim3A_466, %select_n3A_444 : vector<128x20xi1>, vector<128x20xi32>
    %broadcast_in_dim3A_468 = vector.shape_cast %reduce_min3A_460 : vector<128xi32> to vector<128x1xi32>
    %eq3A_469 = vector.broadcast %broadcast_in_dim3A_468 : vector<128x1xi32> to vector<128x128xi32>
    %eq3A_470 = arith.cmpi eq, %iota3A, %eq3A_469 : vector<128x128xi32>
    %jit3A_471 = arith.constant 0x7F800000 : f32
    %broadcast_in_dim3A_472 = vector.broadcast %jit3A_471 : f32 to vector<128x128xf32>
    %select_n3A_473 = arith.select %eq3A_470, %broadcast_in_dim3A_472, %select_n3A_450 : vector<128x128xi1>, vector<128x128xf32>
    %reduce_min3A_474 = arith.constant dense<0x7F800000> : vector<128xf32>
    %reduce_min3A_475 = vector.multi_reduction <minimumf>, %select_n3A_473, %reduce_min3A_474 [1] : vector<128x128xf32> to vector<128xf32>
    %broadcast_in_dim3A_476 = vector.shape_cast %reduce_min3A_475 : vector<128xf32> to vector<128x1xf32>
    %eq3A_477 = vector.broadcast %broadcast_in_dim3A_476 : vector<128x1xf32> to vector<128x128xf32>
    %eq3A_478 = arith.cmpf oeq, %select_n3A_473, %eq3A_477 : vector<128x128xf32>
    %jit3A_479 = arith.constant 128 : i32
    %broadcast_in_dim3A_480 = vector.broadcast %jit3A_479 : i32 to vector<128x128xi32>
    %select_n3A_481 = arith.select %eq3A_478, %iota3A, %broadcast_in_dim3A_480 : vector<128x128xi1>, vector<128x128xi32>
    %reduce_min3A_482 = arith.constant dense<2147483647> : vector<128xi32>
    %reduce_min3A_483 = vector.multi_reduction <minsi>, %select_n3A_481, %reduce_min3A_482 [1] : vector<128x128xi32> to vector<128xi32>
    %eq3A_484 = arith.constant 19 : i32
    %eq3A_485 = vector.broadcast %eq3A_484 : i32 to vector<128x20xi32>
    %eq3A_486 = arith.cmpi eq, %iota3A_22, %eq3A_485 : vector<128x20xi32>
    %broadcast_in_dim3A_487 = vector.shape_cast %reduce_min3A_483 : vector<128xi32> to vector<128x1xi32>
    %broadcast_in_dim3A_488 = vector.shape_cast %broadcast_in_dim3A_487 : vector<128x1xi32> to vector<128x1xi32>
    %broadcast_in_dim3A_489 = vector.broadcast %broadcast_in_dim3A_488 : vector<128x1xi32> to vector<128x20xi32>
    %select_n3A_490 = arith.select %eq3A_486, %broadcast_in_dim3A_489, %select_n3A_467 : vector<128x20xi1>, vector<128x20xi32>
    %swap3A = arith.constant 0 : index
    %swap3A_491 = arith.constant 0 : index
    %swap3A_492 = arith.constant 0 : index
    %swap3A_493 = vector.load %arg5[%swap3A, %swap3A_491, %swap3A_492] : memref<1x128x20xi32, #tpu.memory_space<vmem>>, vector<1x128x20xi32>
    %swap3A_494 = vector.shape_cast %swap3A_493 : vector<1x128x20xi32> to vector<128x20xi32>
    %swap3A_495 = vector.shape_cast %select_n3A_490 : vector<128x20xi32> to vector<1x128x20xi32>
    tpu.vector_store %arg5[%swap3A, %swap3A_491, %swap3A_492], %swap3A_495 {strides = array<i32>} : memref<1x128x20xi32, #tpu.memory_space<vmem>>, vector<1x128x20xi32>,
    return
  }
  func.func @transform_0(%arg0: i32, %arg1: i32) -> (i32, i32, i32) {
    %c0_i32 = arith.constant 0 : i32
    %c0_i32_0 = arith.constant 0 : i32
    return %arg0, %arg1, %c0_i32 : i32, i32, i32
  }
  func.func @transform_1(%arg0: i32, %arg1: i32) -> (i32, i32, i32) {
    %c0_i32 = arith.constant 0 : i32
    %c0_i32_0 = arith.constant 0 : i32
    %c0_i32_1 = arith.constant 0 : i32
    return %arg0, %c0_i32, %c0_i32_0 : i32, i32, i32
  }
  func.func @transform_2(%arg0: i32, %arg1: i32) -> (i32, i32, i32) {
    %c0_i32 = arith.constant 0 : i32
    %c0_i32_0 = arith.constant 0 : i32
    %c0_i32_1 = arith.constant 0 : i32
    return %arg0, %c0_i32, %c0_i32_0 : i32, i32, i32
  }
  func.func @transform_3(%arg0: i32, %arg1: i32) -> (i32, i32, i32) {
    %c0_i32 = arith.constant 0 : i32
    %c0_i32_0 = arith.constant 0 : i32
    return %arg0, %arg1, %c0_i32 : i32, i32, i32
  }
}

module attributes {stable_mosaic.version = 14 : i64} {
  func.func @_knn_body(%arg0: i32, %arg1: i32, %arg2: memref<1x128x3xf32, #tpu.memory_space<vmem>>, %arg3: memref<1x3x512xf32, #tpu.memory_space<vmem>>, %arg4: memref<1x1x512xf32, #tpu.memory_space<vmem>>, %arg5: memref<1x128x4xi32, #tpu.memory_space<vmem>>) attributes {dimension_semantics = [#tpu.dimension_semantics<arbitrary>, #tpu.dimension_semantics<arbitrary>], iteration_bounds = array<i64: 8, 1>, scalar_prefetch = 0 : i64, scratch_operands = 0 : i64, tpu.core_type = #tpu.core_type<tc>, window_params = [{transform_indices = @transform_0, window_bounds = array<i64: 1, 128, 3>}, {transform_indices = @transform_1, window_bounds = array<i64: 1, 3, 512>}, {transform_indices = @transform_2, window_bounds = array<i64: 1, 1, 512>}, {transform_indices = @transform_3, window_bounds = array<i64: 1, 128, 4>}]} {
    %get3A = arith.constant 0 : index
    %get3A_0 = arith.constant 0 : index
    %get3A_1 = arith.constant 0 : index
    %get3A_2 = vector.load %arg2[%get3A, %get3A_0, %get3A_1] : memref<1x128x3xf32, #tpu.memory_space<vmem>>, vector<1x128x3xf32>
    %get3A_3 = vector.shape_cast %get3A_2 : vector<1x128x3xf32> to vector<128x3xf32>
    %get3A_4 = arith.constant 0 : index
    %get3A_5 = arith.constant 0 : index
    %get3A_6 = arith.constant 0 : index
    %get3A_7 = vector.load %arg3[%get3A_4, %get3A_5, %get3A_6] : memref<1x3x512xf32, #tpu.memory_space<vmem>>, vector<1x3x512xf32>
    %get3A_8 = vector.shape_cast %get3A_7 : vector<1x3x512xf32> to vector<3x512xf32>
    %get3A_9 = arith.constant 0 : index
    %get3A_10 = arith.constant 0 : index
    %get3A_11 = arith.constant 0 : index
    %get3A_12 = vector.load %arg4[%get3A_9, %get3A_10, %get3A_11] : memref<1x1x512xf32, #tpu.memory_space<vmem>>, vector<1x1x512xf32>
    %get3A_13 = vector.shape_cast %get3A_12 : vector<1x1x512xf32> to vector<1x512xf32>
    %dot_general3A = arith.constant dense<0.000000e+00> : vector<128x512xf32>
    %dot_general3A_14 = tpu.matmul %get3A_3, %get3A_8, %dot_general3A {dimension_numbers = #tpu.dot_dimension_numbers<[1], [0], [0], [1], [0, 0, 1, 1], [], []>, transpose_lhs_hint = false} : vector<128x3xf32>, vector<3x512xf32>, vector<128x512xf32> -> vector<128x512xf32>
    %mul3A = arith.mulf %get3A_3, %get3A_3 : vector<128x3xf32>
    %reduce_sum3A = arith.constant dense<0.000000e+00> : vector<128xf32>
    %reduce_sum3A_15 = vector.multi_reduction <add>, %mul3A, %reduce_sum3A [1] : vector<128x3xf32> to vector<128xf32>
    %broadcast_in_dim3A = vector.shape_cast %reduce_sum3A_15 : vector<128xf32> to vector<128x1xf32>
    %mul3A_16 = arith.constant -2.000000e+00 : f32
    %mul3A_17 = vector.broadcast %mul3A_16 : f32 to vector<128x512xf32>
    %mul3A_18 = arith.mulf %mul3A_17, %dot_general3A_14 : vector<128x512xf32>
    %add3A = vector.broadcast %get3A_13 : vector<1x512xf32> to vector<128x512xf32>
    %add3A_19 = arith.addf %mul3A_18, %add3A : vector<128x512xf32>
    %add3A_20 = vector.broadcast %broadcast_in_dim3A : vector<128x1xf32> to vector<128x512xf32>
    %add3A_21 = arith.addf %add3A_19, %add3A_20 : vector<128x512xf32>
    %iota3A = tpu.iota {dimensions = array<i32: 1>} : vector<128x512xi32>
    %iota3A_22 = tpu.iota {dimensions = array<i32: 1>} : vector<128x4xi32>
    %broadcast_in_dim3A_23 = arith.constant 0 : i32
    %broadcast_in_dim3A_24 = vector.broadcast %broadcast_in_dim3A_23 : i32 to vector<128x4xi32>
    %reduce_min3A = arith.constant dense<0x7F800000> : vector<128xf32>
    %reduce_min3A_25 = vector.multi_reduction <minimumf>, %add3A_21, %reduce_min3A [1] : vector<128x512xf32> to vector<128xf32>
    %broadcast_in_dim3A_26 = vector.shape_cast %reduce_min3A_25 : vector<128xf32> to vector<128x1xf32>
    %eq3A = vector.broadcast %broadcast_in_dim3A_26 : vector<128x1xf32> to vector<128x512xf32>
    %eq3A_27 = arith.cmpf oeq, %add3A_21, %eq3A : vector<128x512xf32>
    %jit3A = arith.constant 512 : i32
    %broadcast_in_dim3A_28 = vector.broadcast %jit3A : i32 to vector<128x512xi32>
    %select_n3A = arith.select %eq3A_27, %iota3A, %broadcast_in_dim3A_28 : vector<128x512xi1>, vector<128x512xi32>
    %reduce_min3A_29 = arith.constant dense<2147483647> : vector<128xi32>
    %reduce_min3A_30 = vector.multi_reduction <minsi>, %select_n3A, %reduce_min3A_29 [1] : vector<128x512xi32> to vector<128xi32>
    %broadcast_in_dim3A_31 = vector.shape_cast %reduce_min3A_30 : vector<128xi32> to vector<128x1xi32>
    %eq3A_32 = vector.broadcast %broadcast_in_dim3A_31 : vector<128x1xi32> to vector<128x512xi32>
    %eq3A_33 = arith.cmpi eq, %iota3A, %eq3A_32 : vector<128x512xi32>
    %jit3A_34 = arith.constant 0x7F800000 : f32
    %broadcast_in_dim3A_35 = vector.broadcast %jit3A_34 : f32 to vector<128x512xf32>
    %select_n3A_36 = arith.select %eq3A_33, %broadcast_in_dim3A_35, %add3A_21 : vector<128x512xi1>, vector<128x512xf32>
    %reduce_min3A_37 = arith.constant dense<0x7F800000> : vector<128xf32>
    %reduce_min3A_38 = vector.multi_reduction <minimumf>, %select_n3A_36, %reduce_min3A_37 [1] : vector<128x512xf32> to vector<128xf32>
    %broadcast_in_dim3A_39 = vector.shape_cast %reduce_min3A_38 : vector<128xf32> to vector<128x1xf32>
    %eq3A_40 = vector.broadcast %broadcast_in_dim3A_39 : vector<128x1xf32> to vector<128x512xf32>
    %eq3A_41 = arith.cmpf oeq, %select_n3A_36, %eq3A_40 : vector<128x512xf32>
    %jit3A_42 = arith.constant 512 : i32
    %broadcast_in_dim3A_43 = vector.broadcast %jit3A_42 : i32 to vector<128x512xi32>
    %select_n3A_44 = arith.select %eq3A_41, %iota3A, %broadcast_in_dim3A_43 : vector<128x512xi1>, vector<128x512xi32>
    %reduce_min3A_45 = arith.constant dense<2147483647> : vector<128xi32>
    %reduce_min3A_46 = vector.multi_reduction <minsi>, %select_n3A_44, %reduce_min3A_45 [1] : vector<128x512xi32> to vector<128xi32>
    %eq3A_47 = arith.constant 0 : i32
    %eq3A_48 = vector.broadcast %eq3A_47 : i32 to vector<128x4xi32>
    %eq3A_49 = arith.cmpi eq, %iota3A_22, %eq3A_48 : vector<128x4xi32>
    %broadcast_in_dim3A_50 = vector.shape_cast %reduce_min3A_46 : vector<128xi32> to vector<128x1xi32>
    %broadcast_in_dim3A_51 = vector.shape_cast %broadcast_in_dim3A_50 : vector<128x1xi32> to vector<128x1xi32>
    %broadcast_in_dim3A_52 = vector.broadcast %broadcast_in_dim3A_51 : vector<128x1xi32> to vector<128x4xi32>
    %select_n3A_53 = arith.select %eq3A_49, %broadcast_in_dim3A_52, %broadcast_in_dim3A_24 : vector<128x4xi1>, vector<128x4xi32>
    %broadcast_in_dim3A_54 = vector.shape_cast %reduce_min3A_46 : vector<128xi32> to vector<128x1xi32>
    %eq3A_55 = vector.broadcast %broadcast_in_dim3A_54 : vector<128x1xi32> to vector<128x512xi32>
    %eq3A_56 = arith.cmpi eq, %iota3A, %eq3A_55 : vector<128x512xi32>
    %jit3A_57 = arith.constant 0x7F800000 : f32
    %broadcast_in_dim3A_58 = vector.broadcast %jit3A_57 : f32 to vector<128x512xf32>
    %select_n3A_59 = arith.select %eq3A_56, %broadcast_in_dim3A_58, %select_n3A_36 : vector<128x512xi1>, vector<128x512xf32>
    %reduce_min3A_60 = arith.constant dense<0x7F800000> : vector<128xf32>
    %reduce_min3A_61 = vector.multi_reduction <minimumf>, %select_n3A_59, %reduce_min3A_60 [1] : vector<128x512xf32> to vector<128xf32>
    %broadcast_in_dim3A_62 = vector.shape_cast %reduce_min3A_61 : vector<128xf32> to vector<128x1xf32>
    %eq3A_63 = vector.broadcast %broadcast_in_dim3A_62 : vector<128x1xf32> to vector<128x512xf32>
    %eq3A_64 = arith.cmpf oeq, %select_n3A_59, %eq3A_63 : vector<128x512xf32>
    %jit3A_65 = arith.constant 512 : i32
    %broadcast_in_dim3A_66 = vector.broadcast %jit3A_65 : i32 to vector<128x512xi32>
    %select_n3A_67 = arith.select %eq3A_64, %iota3A, %broadcast_in_dim3A_66 : vector<128x512xi1>, vector<128x512xi32>
    %reduce_min3A_68 = arith.constant dense<2147483647> : vector<128xi32>
    %reduce_min3A_69 = vector.multi_reduction <minsi>, %select_n3A_67, %reduce_min3A_68 [1] : vector<128x512xi32> to vector<128xi32>
    %eq3A_70 = arith.constant 1 : i32
    %eq3A_71 = vector.broadcast %eq3A_70 : i32 to vector<128x4xi32>
    %eq3A_72 = arith.cmpi eq, %iota3A_22, %eq3A_71 : vector<128x4xi32>
    %broadcast_in_dim3A_73 = vector.shape_cast %reduce_min3A_69 : vector<128xi32> to vector<128x1xi32>
    %broadcast_in_dim3A_74 = vector.shape_cast %broadcast_in_dim3A_73 : vector<128x1xi32> to vector<128x1xi32>
    %broadcast_in_dim3A_75 = vector.broadcast %broadcast_in_dim3A_74 : vector<128x1xi32> to vector<128x4xi32>
    %select_n3A_76 = arith.select %eq3A_72, %broadcast_in_dim3A_75, %select_n3A_53 : vector<128x4xi1>, vector<128x4xi32>
    %broadcast_in_dim3A_77 = vector.shape_cast %reduce_min3A_69 : vector<128xi32> to vector<128x1xi32>
    %eq3A_78 = vector.broadcast %broadcast_in_dim3A_77 : vector<128x1xi32> to vector<128x512xi32>
    %eq3A_79 = arith.cmpi eq, %iota3A, %eq3A_78 : vector<128x512xi32>
    %jit3A_80 = arith.constant 0x7F800000 : f32
    %broadcast_in_dim3A_81 = vector.broadcast %jit3A_80 : f32 to vector<128x512xf32>
    %select_n3A_82 = arith.select %eq3A_79, %broadcast_in_dim3A_81, %select_n3A_59 : vector<128x512xi1>, vector<128x512xf32>
    %reduce_min3A_83 = arith.constant dense<0x7F800000> : vector<128xf32>
    %reduce_min3A_84 = vector.multi_reduction <minimumf>, %select_n3A_82, %reduce_min3A_83 [1] : vector<128x512xf32> to vector<128xf32>
    %broadcast_in_dim3A_85 = vector.shape_cast %reduce_min3A_84 : vector<128xf32> to vector<128x1xf32>
    %eq3A_86 = vector.broadcast %broadcast_in_dim3A_85 : vector<128x1xf32> to vector<128x512xf32>
    %eq3A_87 = arith.cmpf oeq, %select_n3A_82, %eq3A_86 : vector<128x512xf32>
    %jit3A_88 = arith.constant 512 : i32
    %broadcast_in_dim3A_89 = vector.broadcast %jit3A_88 : i32 to vector<128x512xi32>
    %select_n3A_90 = arith.select %eq3A_87, %iota3A, %broadcast_in_dim3A_89 : vector<128x512xi1>, vector<128x512xi32>
    %reduce_min3A_91 = arith.constant dense<2147483647> : vector<128xi32>
    %reduce_min3A_92 = vector.multi_reduction <minsi>, %select_n3A_90, %reduce_min3A_91 [1] : vector<128x512xi32> to vector<128xi32>
    %eq3A_93 = arith.constant 2 : i32
    %eq3A_94 = vector.broadcast %eq3A_93 : i32 to vector<128x4xi32>
    %eq3A_95 = arith.cmpi eq, %iota3A_22, %eq3A_94 : vector<128x4xi32>
    %broadcast_in_dim3A_96 = vector.shape_cast %reduce_min3A_92 : vector<128xi32> to vector<128x1xi32>
    %broadcast_in_dim3A_97 = vector.shape_cast %broadcast_in_dim3A_96 : vector<128x1xi32> to vector<128x1xi32>
    %broadcast_in_dim3A_98 = vector.broadcast %broadcast_in_dim3A_97 : vector<128x1xi32> to vector<128x4xi32>
    %select_n3A_99 = arith.select %eq3A_95, %broadcast_in_dim3A_98, %select_n3A_76 : vector<128x4xi1>, vector<128x4xi32>
    %broadcast_in_dim3A_100 = vector.shape_cast %reduce_min3A_92 : vector<128xi32> to vector<128x1xi32>
    %eq3A_101 = vector.broadcast %broadcast_in_dim3A_100 : vector<128x1xi32> to vector<128x512xi32>
    %eq3A_102 = arith.cmpi eq, %iota3A, %eq3A_101 : vector<128x512xi32>
    %jit3A_103 = arith.constant 0x7F800000 : f32
    %broadcast_in_dim3A_104 = vector.broadcast %jit3A_103 : f32 to vector<128x512xf32>
    %select_n3A_105 = arith.select %eq3A_102, %broadcast_in_dim3A_104, %select_n3A_82 : vector<128x512xi1>, vector<128x512xf32>
    %reduce_min3A_106 = arith.constant dense<0x7F800000> : vector<128xf32>
    %reduce_min3A_107 = vector.multi_reduction <minimumf>, %select_n3A_105, %reduce_min3A_106 [1] : vector<128x512xf32> to vector<128xf32>
    %broadcast_in_dim3A_108 = vector.shape_cast %reduce_min3A_107 : vector<128xf32> to vector<128x1xf32>
    %eq3A_109 = vector.broadcast %broadcast_in_dim3A_108 : vector<128x1xf32> to vector<128x512xf32>
    %eq3A_110 = arith.cmpf oeq, %select_n3A_105, %eq3A_109 : vector<128x512xf32>
    %jit3A_111 = arith.constant 512 : i32
    %broadcast_in_dim3A_112 = vector.broadcast %jit3A_111 : i32 to vector<128x512xi32>
    %select_n3A_113 = arith.select %eq3A_110, %iota3A, %broadcast_in_dim3A_112 : vector<128x512xi1>, vector<128x512xi32>
    %reduce_min3A_114 = arith.constant dense<2147483647> : vector<128xi32>
    %reduce_min3A_115 = vector.multi_reduction <minsi>, %select_n3A_113, %reduce_min3A_114 [1] : vector<128x512xi32> to vector<128xi32>
    %eq3A_116 = arith.constant 3 : i32
    %eq3A_117 = vector.broadcast %eq3A_116 : i32 to vector<128x4xi32>
    %eq3A_118 = arith.cmpi eq, %iota3A_22, %eq3A_117 : vector<128x4xi32>
    %broadcast_in_dim3A_119 = vector.shape_cast %reduce_min3A_115 : vector<128xi32> to vector<128x1xi32>
    %broadcast_in_dim3A_120 = vector.shape_cast %broadcast_in_dim3A_119 : vector<128x1xi32> to vector<128x1xi32>
    %broadcast_in_dim3A_121 = vector.broadcast %broadcast_in_dim3A_120 : vector<128x1xi32> to vector<128x4xi32>
    %select_n3A_122 = arith.select %eq3A_118, %broadcast_in_dim3A_121, %select_n3A_99 : vector<128x4xi1>, vector<128x4xi32>
    %swap3A = arith.constant 0 : index
    %swap3A_123 = arith.constant 0 : index
    %swap3A_124 = arith.constant 0 : index
    %swap3A_125 = vector.load %arg5[%swap3A, %swap3A_123, %swap3A_124] : memref<1x128x4xi32, #tpu.memory_space<vmem>>, vector<1x128x4xi32>
    %swap3A_126 = vector.shape_cast %swap3A_125 : vector<1x128x4xi32> to vector<128x4xi32>
    %swap3A_127 = vector.shape_cast %select_n3A_122 : vector<128x4xi32> to vector<1x128x4xi32>
    tpu.vector_store %arg5[%swap3A, %swap3A_123, %swap3A_124], %swap3A_127 {strides = array<i32>} : memref<1x128x4xi32, #tpu.memory_space<vmem>>, vector<1x128x4xi32>,
    return
  }
  func.func @transform_0(%arg0: i32, %arg1: i32) -> (i32, i32, i32) {
    %c0_i32 = arith.constant 0 : i32
    %c0_i32_0 = arith.constant 0 : i32
    return %arg0, %arg1, %c0_i32 : i32, i32, i32
  }
  func.func @transform_1(%arg0: i32, %arg1: i32) -> (i32, i32, i32) {
    %c0_i32 = arith.constant 0 : i32
    %c0_i32_0 = arith.constant 0 : i32
    %c0_i32_1 = arith.constant 0 : i32
    return %arg0, %c0_i32, %c0_i32_0 : i32, i32, i32
  }
  func.func @transform_2(%arg0: i32, %arg1: i32) -> (i32, i32, i32) {
    %c0_i32 = arith.constant 0 : i32
    %c0_i32_0 = arith.constant 0 : i32
    %c0_i32_1 = arith.constant 0 : i32
    return %arg0, %c0_i32, %c0_i32_0 : i32, i32, i32
  }
  func.func @transform_3(%arg0: i32, %arg1: i32) -> (i32, i32, i32) {
    %c0_i32 = arith.constant 0 : i32
    %c0_i32_0 = arith.constant 0 : i32
    return %arg0, %arg1, %c0_i32 : i32, i32, i32
  }
}

module attributes {stable_mosaic.version = 14 : i64} {
  func.func @_knn_body(%arg0: i32, %arg1: i32, %arg2: memref<1x256x3xf32, #tpu.memory_space<vmem>>, %arg3: memref<1x3x512xf32, #tpu.memory_space<vmem>>, %arg4: memref<1x1x512xf32, #tpu.memory_space<vmem>>, %arg5: memref<1x256x20xi32, #tpu.memory_space<vmem>>) attributes {dimension_semantics = [#tpu.dimension_semantics<arbitrary>, #tpu.dimension_semantics<arbitrary>], iteration_bounds = array<i64: 8, 2>, scalar_prefetch = 0 : i64, scratch_operands = 0 : i64, tpu.core_type = #tpu.core_type<tc>, window_params = [{transform_indices = @transform_0, window_bounds = array<i64: 1, 256, 3>}, {transform_indices = @transform_1, window_bounds = array<i64: 1, 3, 512>}, {transform_indices = @transform_2, window_bounds = array<i64: 1, 1, 512>}, {transform_indices = @transform_3, window_bounds = array<i64: 1, 256, 20>}]} {
    %get3A = arith.constant 0 : index
    %get3A_0 = arith.constant 0 : index
    %get3A_1 = arith.constant 0 : index
    %get3A_2 = vector.load %arg2[%get3A, %get3A_0, %get3A_1] : memref<1x256x3xf32, #tpu.memory_space<vmem>>, vector<1x256x3xf32>
    %get3A_3 = vector.shape_cast %get3A_2 : vector<1x256x3xf32> to vector<256x3xf32>
    %get3A_4 = arith.constant 0 : index
    %get3A_5 = arith.constant 0 : index
    %get3A_6 = arith.constant 0 : index
    %get3A_7 = vector.load %arg3[%get3A_4, %get3A_5, %get3A_6] : memref<1x3x512xf32, #tpu.memory_space<vmem>>, vector<1x3x512xf32>
    %get3A_8 = vector.shape_cast %get3A_7 : vector<1x3x512xf32> to vector<3x512xf32>
    %get3A_9 = arith.constant 0 : index
    %get3A_10 = arith.constant 0 : index
    %get3A_11 = arith.constant 0 : index
    %get3A_12 = vector.load %arg4[%get3A_9, %get3A_10, %get3A_11] : memref<1x1x512xf32, #tpu.memory_space<vmem>>, vector<1x1x512xf32>
    %get3A_13 = vector.shape_cast %get3A_12 : vector<1x1x512xf32> to vector<1x512xf32>
    %dot_general3A = arith.constant dense<0.000000e+00> : vector<256x512xf32>
    %dot_general3A_14 = tpu.matmul %get3A_3, %get3A_8, %dot_general3A {dimension_numbers = #tpu.dot_dimension_numbers<[1], [0], [0], [1], [0, 0, 1, 1], [], []>, transpose_lhs_hint = false} : vector<256x3xf32>, vector<3x512xf32>, vector<256x512xf32> -> vector<256x512xf32>
    %mul3A = arith.mulf %get3A_3, %get3A_3 : vector<256x3xf32>
    %reduce_sum3A = arith.constant dense<0.000000e+00> : vector<256xf32>
    %reduce_sum3A_15 = vector.multi_reduction <add>, %mul3A, %reduce_sum3A [1] : vector<256x3xf32> to vector<256xf32>
    %broadcast_in_dim3A = vector.shape_cast %reduce_sum3A_15 : vector<256xf32> to vector<256x1xf32>
    %mul3A_16 = arith.constant -2.000000e+00 : f32
    %mul3A_17 = vector.broadcast %mul3A_16 : f32 to vector<256x512xf32>
    %mul3A_18 = arith.mulf %mul3A_17, %dot_general3A_14 : vector<256x512xf32>
    %add3A = vector.broadcast %get3A_13 : vector<1x512xf32> to vector<256x512xf32>
    %add3A_19 = arith.addf %mul3A_18, %add3A : vector<256x512xf32>
    %add3A_20 = vector.broadcast %broadcast_in_dim3A : vector<256x1xf32> to vector<256x512xf32>
    %add3A_21 = arith.addf %add3A_19, %add3A_20 : vector<256x512xf32>
    %iota3A = tpu.iota {dimensions = array<i32: 1>} : vector<256x512xi32>
    %iota3A_22 = tpu.iota {dimensions = array<i32: 1>} : vector<256x20xi32>
    %broadcast_in_dim3A_23 = arith.constant 0 : i32
    %broadcast_in_dim3A_24 = vector.broadcast %broadcast_in_dim3A_23 : i32 to vector<256x20xi32>
    %reduce_min3A = arith.constant dense<0x7F800000> : vector<256xf32>
    %reduce_min3A_25 = vector.multi_reduction <minimumf>, %add3A_21, %reduce_min3A [1] : vector<256x512xf32> to vector<256xf32>
    %broadcast_in_dim3A_26 = vector.shape_cast %reduce_min3A_25 : vector<256xf32> to vector<256x1xf32>
    %eq3A = vector.broadcast %broadcast_in_dim3A_26 : vector<256x1xf32> to vector<256x512xf32>
    %eq3A_27 = arith.cmpf oeq, %add3A_21, %eq3A : vector<256x512xf32>
    %jit3A = arith.constant 512 : i32
    %broadcast_in_dim3A_28 = vector.broadcast %jit3A : i32 to vector<256x512xi32>
    %select_n3A = arith.select %eq3A_27, %iota3A, %broadcast_in_dim3A_28 : vector<256x512xi1>, vector<256x512xi32>
    %reduce_min3A_29 = arith.constant dense<2147483647> : vector<256xi32>
    %reduce_min3A_30 = vector.multi_reduction <minsi>, %select_n3A, %reduce_min3A_29 [1] : vector<256x512xi32> to vector<256xi32>
    %broadcast_in_dim3A_31 = vector.shape_cast %reduce_min3A_30 : vector<256xi32> to vector<256x1xi32>
    %eq3A_32 = vector.broadcast %broadcast_in_dim3A_31 : vector<256x1xi32> to vector<256x512xi32>
    %eq3A_33 = arith.cmpi eq, %iota3A, %eq3A_32 : vector<256x512xi32>
    %jit3A_34 = arith.constant 0x7F800000 : f32
    %broadcast_in_dim3A_35 = vector.broadcast %jit3A_34 : f32 to vector<256x512xf32>
    %select_n3A_36 = arith.select %eq3A_33, %broadcast_in_dim3A_35, %add3A_21 : vector<256x512xi1>, vector<256x512xf32>
    %reduce_min3A_37 = arith.constant dense<0x7F800000> : vector<256xf32>
    %reduce_min3A_38 = vector.multi_reduction <minimumf>, %select_n3A_36, %reduce_min3A_37 [1] : vector<256x512xf32> to vector<256xf32>
    %broadcast_in_dim3A_39 = vector.shape_cast %reduce_min3A_38 : vector<256xf32> to vector<256x1xf32>
    %eq3A_40 = vector.broadcast %broadcast_in_dim3A_39 : vector<256x1xf32> to vector<256x512xf32>
    %eq3A_41 = arith.cmpf oeq, %select_n3A_36, %eq3A_40 : vector<256x512xf32>
    %jit3A_42 = arith.constant 512 : i32
    %broadcast_in_dim3A_43 = vector.broadcast %jit3A_42 : i32 to vector<256x512xi32>
    %select_n3A_44 = arith.select %eq3A_41, %iota3A, %broadcast_in_dim3A_43 : vector<256x512xi1>, vector<256x512xi32>
    %reduce_min3A_45 = arith.constant dense<2147483647> : vector<256xi32>
    %reduce_min3A_46 = vector.multi_reduction <minsi>, %select_n3A_44, %reduce_min3A_45 [1] : vector<256x512xi32> to vector<256xi32>
    %eq3A_47 = arith.constant 0 : i32
    %eq3A_48 = vector.broadcast %eq3A_47 : i32 to vector<256x20xi32>
    %eq3A_49 = arith.cmpi eq, %iota3A_22, %eq3A_48 : vector<256x20xi32>
    %broadcast_in_dim3A_50 = vector.shape_cast %reduce_min3A_46 : vector<256xi32> to vector<256x1xi32>
    %broadcast_in_dim3A_51 = vector.shape_cast %broadcast_in_dim3A_50 : vector<256x1xi32> to vector<256x1xi32>
    %broadcast_in_dim3A_52 = vector.broadcast %broadcast_in_dim3A_51 : vector<256x1xi32> to vector<256x20xi32>
    %select_n3A_53 = arith.select %eq3A_49, %broadcast_in_dim3A_52, %broadcast_in_dim3A_24 : vector<256x20xi1>, vector<256x20xi32>
    %broadcast_in_dim3A_54 = vector.shape_cast %reduce_min3A_46 : vector<256xi32> to vector<256x1xi32>
    %eq3A_55 = vector.broadcast %broadcast_in_dim3A_54 : vector<256x1xi32> to vector<256x512xi32>
    %eq3A_56 = arith.cmpi eq, %iota3A, %eq3A_55 : vector<256x512xi32>
    %jit3A_57 = arith.constant 0x7F800000 : f32
    %broadcast_in_dim3A_58 = vector.broadcast %jit3A_57 : f32 to vector<256x512xf32>
    %select_n3A_59 = arith.select %eq3A_56, %broadcast_in_dim3A_58, %select_n3A_36 : vector<256x512xi1>, vector<256x512xf32>
    %reduce_min3A_60 = arith.constant dense<0x7F800000> : vector<256xf32>
    %reduce_min3A_61 = vector.multi_reduction <minimumf>, %select_n3A_59, %reduce_min3A_60 [1] : vector<256x512xf32> to vector<256xf32>
    %broadcast_in_dim3A_62 = vector.shape_cast %reduce_min3A_61 : vector<256xf32> to vector<256x1xf32>
    %eq3A_63 = vector.broadcast %broadcast_in_dim3A_62 : vector<256x1xf32> to vector<256x512xf32>
    %eq3A_64 = arith.cmpf oeq, %select_n3A_59, %eq3A_63 : vector<256x512xf32>
    %jit3A_65 = arith.constant 512 : i32
    %broadcast_in_dim3A_66 = vector.broadcast %jit3A_65 : i32 to vector<256x512xi32>
    %select_n3A_67 = arith.select %eq3A_64, %iota3A, %broadcast_in_dim3A_66 : vector<256x512xi1>, vector<256x512xi32>
    %reduce_min3A_68 = arith.constant dense<2147483647> : vector<256xi32>
    %reduce_min3A_69 = vector.multi_reduction <minsi>, %select_n3A_67, %reduce_min3A_68 [1] : vector<256x512xi32> to vector<256xi32>
    %eq3A_70 = arith.constant 1 : i32
    %eq3A_71 = vector.broadcast %eq3A_70 : i32 to vector<256x20xi32>
    %eq3A_72 = arith.cmpi eq, %iota3A_22, %eq3A_71 : vector<256x20xi32>
    %broadcast_in_dim3A_73 = vector.shape_cast %reduce_min3A_69 : vector<256xi32> to vector<256x1xi32>
    %broadcast_in_dim3A_74 = vector.shape_cast %broadcast_in_dim3A_73 : vector<256x1xi32> to vector<256x1xi32>
    %broadcast_in_dim3A_75 = vector.broadcast %broadcast_in_dim3A_74 : vector<256x1xi32> to vector<256x20xi32>
    %select_n3A_76 = arith.select %eq3A_72, %broadcast_in_dim3A_75, %select_n3A_53 : vector<256x20xi1>, vector<256x20xi32>
    %broadcast_in_dim3A_77 = vector.shape_cast %reduce_min3A_69 : vector<256xi32> to vector<256x1xi32>
    %eq3A_78 = vector.broadcast %broadcast_in_dim3A_77 : vector<256x1xi32> to vector<256x512xi32>
    %eq3A_79 = arith.cmpi eq, %iota3A, %eq3A_78 : vector<256x512xi32>
    %jit3A_80 = arith.constant 0x7F800000 : f32
    %broadcast_in_dim3A_81 = vector.broadcast %jit3A_80 : f32 to vector<256x512xf32>
    %select_n3A_82 = arith.select %eq3A_79, %broadcast_in_dim3A_81, %select_n3A_59 : vector<256x512xi1>, vector<256x512xf32>
    %reduce_min3A_83 = arith.constant dense<0x7F800000> : vector<256xf32>
    %reduce_min3A_84 = vector.multi_reduction <minimumf>, %select_n3A_82, %reduce_min3A_83 [1] : vector<256x512xf32> to vector<256xf32>
    %broadcast_in_dim3A_85 = vector.shape_cast %reduce_min3A_84 : vector<256xf32> to vector<256x1xf32>
    %eq3A_86 = vector.broadcast %broadcast_in_dim3A_85 : vector<256x1xf32> to vector<256x512xf32>
    %eq3A_87 = arith.cmpf oeq, %select_n3A_82, %eq3A_86 : vector<256x512xf32>
    %jit3A_88 = arith.constant 512 : i32
    %broadcast_in_dim3A_89 = vector.broadcast %jit3A_88 : i32 to vector<256x512xi32>
    %select_n3A_90 = arith.select %eq3A_87, %iota3A, %broadcast_in_dim3A_89 : vector<256x512xi1>, vector<256x512xi32>
    %reduce_min3A_91 = arith.constant dense<2147483647> : vector<256xi32>
    %reduce_min3A_92 = vector.multi_reduction <minsi>, %select_n3A_90, %reduce_min3A_91 [1] : vector<256x512xi32> to vector<256xi32>
    %eq3A_93 = arith.constant 2 : i32
    %eq3A_94 = vector.broadcast %eq3A_93 : i32 to vector<256x20xi32>
    %eq3A_95 = arith.cmpi eq, %iota3A_22, %eq3A_94 : vector<256x20xi32>
    %broadcast_in_dim3A_96 = vector.shape_cast %reduce_min3A_92 : vector<256xi32> to vector<256x1xi32>
    %broadcast_in_dim3A_97 = vector.shape_cast %broadcast_in_dim3A_96 : vector<256x1xi32> to vector<256x1xi32>
    %broadcast_in_dim3A_98 = vector.broadcast %broadcast_in_dim3A_97 : vector<256x1xi32> to vector<256x20xi32>
    %select_n3A_99 = arith.select %eq3A_95, %broadcast_in_dim3A_98, %select_n3A_76 : vector<256x20xi1>, vector<256x20xi32>
    %broadcast_in_dim3A_100 = vector.shape_cast %reduce_min3A_92 : vector<256xi32> to vector<256x1xi32>
    %eq3A_101 = vector.broadcast %broadcast_in_dim3A_100 : vector<256x1xi32> to vector<256x512xi32>
    %eq3A_102 = arith.cmpi eq, %iota3A, %eq3A_101 : vector<256x512xi32>
    %jit3A_103 = arith.constant 0x7F800000 : f32
    %broadcast_in_dim3A_104 = vector.broadcast %jit3A_103 : f32 to vector<256x512xf32>
    %select_n3A_105 = arith.select %eq3A_102, %broadcast_in_dim3A_104, %select_n3A_82 : vector<256x512xi1>, vector<256x512xf32>
    %reduce_min3A_106 = arith.constant dense<0x7F800000> : vector<256xf32>
    %reduce_min3A_107 = vector.multi_reduction <minimumf>, %select_n3A_105, %reduce_min3A_106 [1] : vector<256x512xf32> to vector<256xf32>
    %broadcast_in_dim3A_108 = vector.shape_cast %reduce_min3A_107 : vector<256xf32> to vector<256x1xf32>
    %eq3A_109 = vector.broadcast %broadcast_in_dim3A_108 : vector<256x1xf32> to vector<256x512xf32>
    %eq3A_110 = arith.cmpf oeq, %select_n3A_105, %eq3A_109 : vector<256x512xf32>
    %jit3A_111 = arith.constant 512 : i32
    %broadcast_in_dim3A_112 = vector.broadcast %jit3A_111 : i32 to vector<256x512xi32>
    %select_n3A_113 = arith.select %eq3A_110, %iota3A, %broadcast_in_dim3A_112 : vector<256x512xi1>, vector<256x512xi32>
    %reduce_min3A_114 = arith.constant dense<2147483647> : vector<256xi32>
    %reduce_min3A_115 = vector.multi_reduction <minsi>, %select_n3A_113, %reduce_min3A_114 [1] : vector<256x512xi32> to vector<256xi32>
    %eq3A_116 = arith.constant 3 : i32
    %eq3A_117 = vector.broadcast %eq3A_116 : i32 to vector<256x20xi32>
    %eq3A_118 = arith.cmpi eq, %iota3A_22, %eq3A_117 : vector<256x20xi32>
    %broadcast_in_dim3A_119 = vector.shape_cast %reduce_min3A_115 : vector<256xi32> to vector<256x1xi32>
    %broadcast_in_dim3A_120 = vector.shape_cast %broadcast_in_dim3A_119 : vector<256x1xi32> to vector<256x1xi32>
    %broadcast_in_dim3A_121 = vector.broadcast %broadcast_in_dim3A_120 : vector<256x1xi32> to vector<256x20xi32>
    %select_n3A_122 = arith.select %eq3A_118, %broadcast_in_dim3A_121, %select_n3A_99 : vector<256x20xi1>, vector<256x20xi32>
    %broadcast_in_dim3A_123 = vector.shape_cast %reduce_min3A_115 : vector<256xi32> to vector<256x1xi32>
    %eq3A_124 = vector.broadcast %broadcast_in_dim3A_123 : vector<256x1xi32> to vector<256x512xi32>
    %eq3A_125 = arith.cmpi eq, %iota3A, %eq3A_124 : vector<256x512xi32>
    %jit3A_126 = arith.constant 0x7F800000 : f32
    %broadcast_in_dim3A_127 = vector.broadcast %jit3A_126 : f32 to vector<256x512xf32>
    %select_n3A_128 = arith.select %eq3A_125, %broadcast_in_dim3A_127, %select_n3A_105 : vector<256x512xi1>, vector<256x512xf32>
    %reduce_min3A_129 = arith.constant dense<0x7F800000> : vector<256xf32>
    %reduce_min3A_130 = vector.multi_reduction <minimumf>, %select_n3A_128, %reduce_min3A_129 [1] : vector<256x512xf32> to vector<256xf32>
    %broadcast_in_dim3A_131 = vector.shape_cast %reduce_min3A_130 : vector<256xf32> to vector<256x1xf32>
    %eq3A_132 = vector.broadcast %broadcast_in_dim3A_131 : vector<256x1xf32> to vector<256x512xf32>
    %eq3A_133 = arith.cmpf oeq, %select_n3A_128, %eq3A_132 : vector<256x512xf32>
    %jit3A_134 = arith.constant 512 : i32
    %broadcast_in_dim3A_135 = vector.broadcast %jit3A_134 : i32 to vector<256x512xi32>
    %select_n3A_136 = arith.select %eq3A_133, %iota3A, %broadcast_in_dim3A_135 : vector<256x512xi1>, vector<256x512xi32>
    %reduce_min3A_137 = arith.constant dense<2147483647> : vector<256xi32>
    %reduce_min3A_138 = vector.multi_reduction <minsi>, %select_n3A_136, %reduce_min3A_137 [1] : vector<256x512xi32> to vector<256xi32>
    %eq3A_139 = arith.constant 4 : i32
    %eq3A_140 = vector.broadcast %eq3A_139 : i32 to vector<256x20xi32>
    %eq3A_141 = arith.cmpi eq, %iota3A_22, %eq3A_140 : vector<256x20xi32>
    %broadcast_in_dim3A_142 = vector.shape_cast %reduce_min3A_138 : vector<256xi32> to vector<256x1xi32>
    %broadcast_in_dim3A_143 = vector.shape_cast %broadcast_in_dim3A_142 : vector<256x1xi32> to vector<256x1xi32>
    %broadcast_in_dim3A_144 = vector.broadcast %broadcast_in_dim3A_143 : vector<256x1xi32> to vector<256x20xi32>
    %select_n3A_145 = arith.select %eq3A_141, %broadcast_in_dim3A_144, %select_n3A_122 : vector<256x20xi1>, vector<256x20xi32>
    %broadcast_in_dim3A_146 = vector.shape_cast %reduce_min3A_138 : vector<256xi32> to vector<256x1xi32>
    %eq3A_147 = vector.broadcast %broadcast_in_dim3A_146 : vector<256x1xi32> to vector<256x512xi32>
    %eq3A_148 = arith.cmpi eq, %iota3A, %eq3A_147 : vector<256x512xi32>
    %jit3A_149 = arith.constant 0x7F800000 : f32
    %broadcast_in_dim3A_150 = vector.broadcast %jit3A_149 : f32 to vector<256x512xf32>
    %select_n3A_151 = arith.select %eq3A_148, %broadcast_in_dim3A_150, %select_n3A_128 : vector<256x512xi1>, vector<256x512xf32>
    %reduce_min3A_152 = arith.constant dense<0x7F800000> : vector<256xf32>
    %reduce_min3A_153 = vector.multi_reduction <minimumf>, %select_n3A_151, %reduce_min3A_152 [1] : vector<256x512xf32> to vector<256xf32>
    %broadcast_in_dim3A_154 = vector.shape_cast %reduce_min3A_153 : vector<256xf32> to vector<256x1xf32>
    %eq3A_155 = vector.broadcast %broadcast_in_dim3A_154 : vector<256x1xf32> to vector<256x512xf32>
    %eq3A_156 = arith.cmpf oeq, %select_n3A_151, %eq3A_155 : vector<256x512xf32>
    %jit3A_157 = arith.constant 512 : i32
    %broadcast_in_dim3A_158 = vector.broadcast %jit3A_157 : i32 to vector<256x512xi32>
    %select_n3A_159 = arith.select %eq3A_156, %iota3A, %broadcast_in_dim3A_158 : vector<256x512xi1>, vector<256x512xi32>
    %reduce_min3A_160 = arith.constant dense<2147483647> : vector<256xi32>
    %reduce_min3A_161 = vector.multi_reduction <minsi>, %select_n3A_159, %reduce_min3A_160 [1] : vector<256x512xi32> to vector<256xi32>
    %eq3A_162 = arith.constant 5 : i32
    %eq3A_163 = vector.broadcast %eq3A_162 : i32 to vector<256x20xi32>
    %eq3A_164 = arith.cmpi eq, %iota3A_22, %eq3A_163 : vector<256x20xi32>
    %broadcast_in_dim3A_165 = vector.shape_cast %reduce_min3A_161 : vector<256xi32> to vector<256x1xi32>
    %broadcast_in_dim3A_166 = vector.shape_cast %broadcast_in_dim3A_165 : vector<256x1xi32> to vector<256x1xi32>
    %broadcast_in_dim3A_167 = vector.broadcast %broadcast_in_dim3A_166 : vector<256x1xi32> to vector<256x20xi32>
    %select_n3A_168 = arith.select %eq3A_164, %broadcast_in_dim3A_167, %select_n3A_145 : vector<256x20xi1>, vector<256x20xi32>
    %broadcast_in_dim3A_169 = vector.shape_cast %reduce_min3A_161 : vector<256xi32> to vector<256x1xi32>
    %eq3A_170 = vector.broadcast %broadcast_in_dim3A_169 : vector<256x1xi32> to vector<256x512xi32>
    %eq3A_171 = arith.cmpi eq, %iota3A, %eq3A_170 : vector<256x512xi32>
    %jit3A_172 = arith.constant 0x7F800000 : f32
    %broadcast_in_dim3A_173 = vector.broadcast %jit3A_172 : f32 to vector<256x512xf32>
    %select_n3A_174 = arith.select %eq3A_171, %broadcast_in_dim3A_173, %select_n3A_151 : vector<256x512xi1>, vector<256x512xf32>
    %reduce_min3A_175 = arith.constant dense<0x7F800000> : vector<256xf32>
    %reduce_min3A_176 = vector.multi_reduction <minimumf>, %select_n3A_174, %reduce_min3A_175 [1] : vector<256x512xf32> to vector<256xf32>
    %broadcast_in_dim3A_177 = vector.shape_cast %reduce_min3A_176 : vector<256xf32> to vector<256x1xf32>
    %eq3A_178 = vector.broadcast %broadcast_in_dim3A_177 : vector<256x1xf32> to vector<256x512xf32>
    %eq3A_179 = arith.cmpf oeq, %select_n3A_174, %eq3A_178 : vector<256x512xf32>
    %jit3A_180 = arith.constant 512 : i32
    %broadcast_in_dim3A_181 = vector.broadcast %jit3A_180 : i32 to vector<256x512xi32>
    %select_n3A_182 = arith.select %eq3A_179, %iota3A, %broadcast_in_dim3A_181 : vector<256x512xi1>, vector<256x512xi32>
    %reduce_min3A_183 = arith.constant dense<2147483647> : vector<256xi32>
    %reduce_min3A_184 = vector.multi_reduction <minsi>, %select_n3A_182, %reduce_min3A_183 [1] : vector<256x512xi32> to vector<256xi32>
    %eq3A_185 = arith.constant 6 : i32
    %eq3A_186 = vector.broadcast %eq3A_185 : i32 to vector<256x20xi32>
    %eq3A_187 = arith.cmpi eq, %iota3A_22, %eq3A_186 : vector<256x20xi32>
    %broadcast_in_dim3A_188 = vector.shape_cast %reduce_min3A_184 : vector<256xi32> to vector<256x1xi32>
    %broadcast_in_dim3A_189 = vector.shape_cast %broadcast_in_dim3A_188 : vector<256x1xi32> to vector<256x1xi32>
    %broadcast_in_dim3A_190 = vector.broadcast %broadcast_in_dim3A_189 : vector<256x1xi32> to vector<256x20xi32>
    %select_n3A_191 = arith.select %eq3A_187, %broadcast_in_dim3A_190, %select_n3A_168 : vector<256x20xi1>, vector<256x20xi32>
    %broadcast_in_dim3A_192 = vector.shape_cast %reduce_min3A_184 : vector<256xi32> to vector<256x1xi32>
    %eq3A_193 = vector.broadcast %broadcast_in_dim3A_192 : vector<256x1xi32> to vector<256x512xi32>
    %eq3A_194 = arith.cmpi eq, %iota3A, %eq3A_193 : vector<256x512xi32>
    %jit3A_195 = arith.constant 0x7F800000 : f32
    %broadcast_in_dim3A_196 = vector.broadcast %jit3A_195 : f32 to vector<256x512xf32>
    %select_n3A_197 = arith.select %eq3A_194, %broadcast_in_dim3A_196, %select_n3A_174 : vector<256x512xi1>, vector<256x512xf32>
    %reduce_min3A_198 = arith.constant dense<0x7F800000> : vector<256xf32>
    %reduce_min3A_199 = vector.multi_reduction <minimumf>, %select_n3A_197, %reduce_min3A_198 [1] : vector<256x512xf32> to vector<256xf32>
    %broadcast_in_dim3A_200 = vector.shape_cast %reduce_min3A_199 : vector<256xf32> to vector<256x1xf32>
    %eq3A_201 = vector.broadcast %broadcast_in_dim3A_200 : vector<256x1xf32> to vector<256x512xf32>
    %eq3A_202 = arith.cmpf oeq, %select_n3A_197, %eq3A_201 : vector<256x512xf32>
    %jit3A_203 = arith.constant 512 : i32
    %broadcast_in_dim3A_204 = vector.broadcast %jit3A_203 : i32 to vector<256x512xi32>
    %select_n3A_205 = arith.select %eq3A_202, %iota3A, %broadcast_in_dim3A_204 : vector<256x512xi1>, vector<256x512xi32>
    %reduce_min3A_206 = arith.constant dense<2147483647> : vector<256xi32>
    %reduce_min3A_207 = vector.multi_reduction <minsi>, %select_n3A_205, %reduce_min3A_206 [1] : vector<256x512xi32> to vector<256xi32>
    %eq3A_208 = arith.constant 7 : i32
    %eq3A_209 = vector.broadcast %eq3A_208 : i32 to vector<256x20xi32>
    %eq3A_210 = arith.cmpi eq, %iota3A_22, %eq3A_209 : vector<256x20xi32>
    %broadcast_in_dim3A_211 = vector.shape_cast %reduce_min3A_207 : vector<256xi32> to vector<256x1xi32>
    %broadcast_in_dim3A_212 = vector.shape_cast %broadcast_in_dim3A_211 : vector<256x1xi32> to vector<256x1xi32>
    %broadcast_in_dim3A_213 = vector.broadcast %broadcast_in_dim3A_212 : vector<256x1xi32> to vector<256x20xi32>
    %select_n3A_214 = arith.select %eq3A_210, %broadcast_in_dim3A_213, %select_n3A_191 : vector<256x20xi1>, vector<256x20xi32>
    %broadcast_in_dim3A_215 = vector.shape_cast %reduce_min3A_207 : vector<256xi32> to vector<256x1xi32>
    %eq3A_216 = vector.broadcast %broadcast_in_dim3A_215 : vector<256x1xi32> to vector<256x512xi32>
    %eq3A_217 = arith.cmpi eq, %iota3A, %eq3A_216 : vector<256x512xi32>
    %jit3A_218 = arith.constant 0x7F800000 : f32
    %broadcast_in_dim3A_219 = vector.broadcast %jit3A_218 : f32 to vector<256x512xf32>
    %select_n3A_220 = arith.select %eq3A_217, %broadcast_in_dim3A_219, %select_n3A_197 : vector<256x512xi1>, vector<256x512xf32>
    %reduce_min3A_221 = arith.constant dense<0x7F800000> : vector<256xf32>
    %reduce_min3A_222 = vector.multi_reduction <minimumf>, %select_n3A_220, %reduce_min3A_221 [1] : vector<256x512xf32> to vector<256xf32>
    %broadcast_in_dim3A_223 = vector.shape_cast %reduce_min3A_222 : vector<256xf32> to vector<256x1xf32>
    %eq3A_224 = vector.broadcast %broadcast_in_dim3A_223 : vector<256x1xf32> to vector<256x512xf32>
    %eq3A_225 = arith.cmpf oeq, %select_n3A_220, %eq3A_224 : vector<256x512xf32>
    %jit3A_226 = arith.constant 512 : i32
    %broadcast_in_dim3A_227 = vector.broadcast %jit3A_226 : i32 to vector<256x512xi32>
    %select_n3A_228 = arith.select %eq3A_225, %iota3A, %broadcast_in_dim3A_227 : vector<256x512xi1>, vector<256x512xi32>
    %reduce_min3A_229 = arith.constant dense<2147483647> : vector<256xi32>
    %reduce_min3A_230 = vector.multi_reduction <minsi>, %select_n3A_228, %reduce_min3A_229 [1] : vector<256x512xi32> to vector<256xi32>
    %eq3A_231 = arith.constant 8 : i32
    %eq3A_232 = vector.broadcast %eq3A_231 : i32 to vector<256x20xi32>
    %eq3A_233 = arith.cmpi eq, %iota3A_22, %eq3A_232 : vector<256x20xi32>
    %broadcast_in_dim3A_234 = vector.shape_cast %reduce_min3A_230 : vector<256xi32> to vector<256x1xi32>
    %broadcast_in_dim3A_235 = vector.shape_cast %broadcast_in_dim3A_234 : vector<256x1xi32> to vector<256x1xi32>
    %broadcast_in_dim3A_236 = vector.broadcast %broadcast_in_dim3A_235 : vector<256x1xi32> to vector<256x20xi32>
    %select_n3A_237 = arith.select %eq3A_233, %broadcast_in_dim3A_236, %select_n3A_214 : vector<256x20xi1>, vector<256x20xi32>
    %broadcast_in_dim3A_238 = vector.shape_cast %reduce_min3A_230 : vector<256xi32> to vector<256x1xi32>
    %eq3A_239 = vector.broadcast %broadcast_in_dim3A_238 : vector<256x1xi32> to vector<256x512xi32>
    %eq3A_240 = arith.cmpi eq, %iota3A, %eq3A_239 : vector<256x512xi32>
    %jit3A_241 = arith.constant 0x7F800000 : f32
    %broadcast_in_dim3A_242 = vector.broadcast %jit3A_241 : f32 to vector<256x512xf32>
    %select_n3A_243 = arith.select %eq3A_240, %broadcast_in_dim3A_242, %select_n3A_220 : vector<256x512xi1>, vector<256x512xf32>
    %reduce_min3A_244 = arith.constant dense<0x7F800000> : vector<256xf32>
    %reduce_min3A_245 = vector.multi_reduction <minimumf>, %select_n3A_243, %reduce_min3A_244 [1] : vector<256x512xf32> to vector<256xf32>
    %broadcast_in_dim3A_246 = vector.shape_cast %reduce_min3A_245 : vector<256xf32> to vector<256x1xf32>
    %eq3A_247 = vector.broadcast %broadcast_in_dim3A_246 : vector<256x1xf32> to vector<256x512xf32>
    %eq3A_248 = arith.cmpf oeq, %select_n3A_243, %eq3A_247 : vector<256x512xf32>
    %jit3A_249 = arith.constant 512 : i32
    %broadcast_in_dim3A_250 = vector.broadcast %jit3A_249 : i32 to vector<256x512xi32>
    %select_n3A_251 = arith.select %eq3A_248, %iota3A, %broadcast_in_dim3A_250 : vector<256x512xi1>, vector<256x512xi32>
    %reduce_min3A_252 = arith.constant dense<2147483647> : vector<256xi32>
    %reduce_min3A_253 = vector.multi_reduction <minsi>, %select_n3A_251, %reduce_min3A_252 [1] : vector<256x512xi32> to vector<256xi32>
    %eq3A_254 = arith.constant 9 : i32
    %eq3A_255 = vector.broadcast %eq3A_254 : i32 to vector<256x20xi32>
    %eq3A_256 = arith.cmpi eq, %iota3A_22, %eq3A_255 : vector<256x20xi32>
    %broadcast_in_dim3A_257 = vector.shape_cast %reduce_min3A_253 : vector<256xi32> to vector<256x1xi32>
    %broadcast_in_dim3A_258 = vector.shape_cast %broadcast_in_dim3A_257 : vector<256x1xi32> to vector<256x1xi32>
    %broadcast_in_dim3A_259 = vector.broadcast %broadcast_in_dim3A_258 : vector<256x1xi32> to vector<256x20xi32>
    %select_n3A_260 = arith.select %eq3A_256, %broadcast_in_dim3A_259, %select_n3A_237 : vector<256x20xi1>, vector<256x20xi32>
    %broadcast_in_dim3A_261 = vector.shape_cast %reduce_min3A_253 : vector<256xi32> to vector<256x1xi32>
    %eq3A_262 = vector.broadcast %broadcast_in_dim3A_261 : vector<256x1xi32> to vector<256x512xi32>
    %eq3A_263 = arith.cmpi eq, %iota3A, %eq3A_262 : vector<256x512xi32>
    %jit3A_264 = arith.constant 0x7F800000 : f32
    %broadcast_in_dim3A_265 = vector.broadcast %jit3A_264 : f32 to vector<256x512xf32>
    %select_n3A_266 = arith.select %eq3A_263, %broadcast_in_dim3A_265, %select_n3A_243 : vector<256x512xi1>, vector<256x512xf32>
    %reduce_min3A_267 = arith.constant dense<0x7F800000> : vector<256xf32>
    %reduce_min3A_268 = vector.multi_reduction <minimumf>, %select_n3A_266, %reduce_min3A_267 [1] : vector<256x512xf32> to vector<256xf32>
    %broadcast_in_dim3A_269 = vector.shape_cast %reduce_min3A_268 : vector<256xf32> to vector<256x1xf32>
    %eq3A_270 = vector.broadcast %broadcast_in_dim3A_269 : vector<256x1xf32> to vector<256x512xf32>
    %eq3A_271 = arith.cmpf oeq, %select_n3A_266, %eq3A_270 : vector<256x512xf32>
    %jit3A_272 = arith.constant 512 : i32
    %broadcast_in_dim3A_273 = vector.broadcast %jit3A_272 : i32 to vector<256x512xi32>
    %select_n3A_274 = arith.select %eq3A_271, %iota3A, %broadcast_in_dim3A_273 : vector<256x512xi1>, vector<256x512xi32>
    %reduce_min3A_275 = arith.constant dense<2147483647> : vector<256xi32>
    %reduce_min3A_276 = vector.multi_reduction <minsi>, %select_n3A_274, %reduce_min3A_275 [1] : vector<256x512xi32> to vector<256xi32>
    %eq3A_277 = arith.constant 10 : i32
    %eq3A_278 = vector.broadcast %eq3A_277 : i32 to vector<256x20xi32>
    %eq3A_279 = arith.cmpi eq, %iota3A_22, %eq3A_278 : vector<256x20xi32>
    %broadcast_in_dim3A_280 = vector.shape_cast %reduce_min3A_276 : vector<256xi32> to vector<256x1xi32>
    %broadcast_in_dim3A_281 = vector.shape_cast %broadcast_in_dim3A_280 : vector<256x1xi32> to vector<256x1xi32>
    %broadcast_in_dim3A_282 = vector.broadcast %broadcast_in_dim3A_281 : vector<256x1xi32> to vector<256x20xi32>
    %select_n3A_283 = arith.select %eq3A_279, %broadcast_in_dim3A_282, %select_n3A_260 : vector<256x20xi1>, vector<256x20xi32>
    %broadcast_in_dim3A_284 = vector.shape_cast %reduce_min3A_276 : vector<256xi32> to vector<256x1xi32>
    %eq3A_285 = vector.broadcast %broadcast_in_dim3A_284 : vector<256x1xi32> to vector<256x512xi32>
    %eq3A_286 = arith.cmpi eq, %iota3A, %eq3A_285 : vector<256x512xi32>
    %jit3A_287 = arith.constant 0x7F800000 : f32
    %broadcast_in_dim3A_288 = vector.broadcast %jit3A_287 : f32 to vector<256x512xf32>
    %select_n3A_289 = arith.select %eq3A_286, %broadcast_in_dim3A_288, %select_n3A_266 : vector<256x512xi1>, vector<256x512xf32>
    %reduce_min3A_290 = arith.constant dense<0x7F800000> : vector<256xf32>
    %reduce_min3A_291 = vector.multi_reduction <minimumf>, %select_n3A_289, %reduce_min3A_290 [1] : vector<256x512xf32> to vector<256xf32>
    %broadcast_in_dim3A_292 = vector.shape_cast %reduce_min3A_291 : vector<256xf32> to vector<256x1xf32>
    %eq3A_293 = vector.broadcast %broadcast_in_dim3A_292 : vector<256x1xf32> to vector<256x512xf32>
    %eq3A_294 = arith.cmpf oeq, %select_n3A_289, %eq3A_293 : vector<256x512xf32>
    %jit3A_295 = arith.constant 512 : i32
    %broadcast_in_dim3A_296 = vector.broadcast %jit3A_295 : i32 to vector<256x512xi32>
    %select_n3A_297 = arith.select %eq3A_294, %iota3A, %broadcast_in_dim3A_296 : vector<256x512xi1>, vector<256x512xi32>
    %reduce_min3A_298 = arith.constant dense<2147483647> : vector<256xi32>
    %reduce_min3A_299 = vector.multi_reduction <minsi>, %select_n3A_297, %reduce_min3A_298 [1] : vector<256x512xi32> to vector<256xi32>
    %eq3A_300 = arith.constant 11 : i32
    %eq3A_301 = vector.broadcast %eq3A_300 : i32 to vector<256x20xi32>
    %eq3A_302 = arith.cmpi eq, %iota3A_22, %eq3A_301 : vector<256x20xi32>
    %broadcast_in_dim3A_303 = vector.shape_cast %reduce_min3A_299 : vector<256xi32> to vector<256x1xi32>
    %broadcast_in_dim3A_304 = vector.shape_cast %broadcast_in_dim3A_303 : vector<256x1xi32> to vector<256x1xi32>
    %broadcast_in_dim3A_305 = vector.broadcast %broadcast_in_dim3A_304 : vector<256x1xi32> to vector<256x20xi32>
    %select_n3A_306 = arith.select %eq3A_302, %broadcast_in_dim3A_305, %select_n3A_283 : vector<256x20xi1>, vector<256x20xi32>
    %broadcast_in_dim3A_307 = vector.shape_cast %reduce_min3A_299 : vector<256xi32> to vector<256x1xi32>
    %eq3A_308 = vector.broadcast %broadcast_in_dim3A_307 : vector<256x1xi32> to vector<256x512xi32>
    %eq3A_309 = arith.cmpi eq, %iota3A, %eq3A_308 : vector<256x512xi32>
    %jit3A_310 = arith.constant 0x7F800000 : f32
    %broadcast_in_dim3A_311 = vector.broadcast %jit3A_310 : f32 to vector<256x512xf32>
    %select_n3A_312 = arith.select %eq3A_309, %broadcast_in_dim3A_311, %select_n3A_289 : vector<256x512xi1>, vector<256x512xf32>
    %reduce_min3A_313 = arith.constant dense<0x7F800000> : vector<256xf32>
    %reduce_min3A_314 = vector.multi_reduction <minimumf>, %select_n3A_312, %reduce_min3A_313 [1] : vector<256x512xf32> to vector<256xf32>
    %broadcast_in_dim3A_315 = vector.shape_cast %reduce_min3A_314 : vector<256xf32> to vector<256x1xf32>
    %eq3A_316 = vector.broadcast %broadcast_in_dim3A_315 : vector<256x1xf32> to vector<256x512xf32>
    %eq3A_317 = arith.cmpf oeq, %select_n3A_312, %eq3A_316 : vector<256x512xf32>
    %jit3A_318 = arith.constant 512 : i32
    %broadcast_in_dim3A_319 = vector.broadcast %jit3A_318 : i32 to vector<256x512xi32>
    %select_n3A_320 = arith.select %eq3A_317, %iota3A, %broadcast_in_dim3A_319 : vector<256x512xi1>, vector<256x512xi32>
    %reduce_min3A_321 = arith.constant dense<2147483647> : vector<256xi32>
    %reduce_min3A_322 = vector.multi_reduction <minsi>, %select_n3A_320, %reduce_min3A_321 [1] : vector<256x512xi32> to vector<256xi32>
    %eq3A_323 = arith.constant 12 : i32
    %eq3A_324 = vector.broadcast %eq3A_323 : i32 to vector<256x20xi32>
    %eq3A_325 = arith.cmpi eq, %iota3A_22, %eq3A_324 : vector<256x20xi32>
    %broadcast_in_dim3A_326 = vector.shape_cast %reduce_min3A_322 : vector<256xi32> to vector<256x1xi32>
    %broadcast_in_dim3A_327 = vector.shape_cast %broadcast_in_dim3A_326 : vector<256x1xi32> to vector<256x1xi32>
    %broadcast_in_dim3A_328 = vector.broadcast %broadcast_in_dim3A_327 : vector<256x1xi32> to vector<256x20xi32>
    %select_n3A_329 = arith.select %eq3A_325, %broadcast_in_dim3A_328, %select_n3A_306 : vector<256x20xi1>, vector<256x20xi32>
    %broadcast_in_dim3A_330 = vector.shape_cast %reduce_min3A_322 : vector<256xi32> to vector<256x1xi32>
    %eq3A_331 = vector.broadcast %broadcast_in_dim3A_330 : vector<256x1xi32> to vector<256x512xi32>
    %eq3A_332 = arith.cmpi eq, %iota3A, %eq3A_331 : vector<256x512xi32>
    %jit3A_333 = arith.constant 0x7F800000 : f32
    %broadcast_in_dim3A_334 = vector.broadcast %jit3A_333 : f32 to vector<256x512xf32>
    %select_n3A_335 = arith.select %eq3A_332, %broadcast_in_dim3A_334, %select_n3A_312 : vector<256x512xi1>, vector<256x512xf32>
    %reduce_min3A_336 = arith.constant dense<0x7F800000> : vector<256xf32>
    %reduce_min3A_337 = vector.multi_reduction <minimumf>, %select_n3A_335, %reduce_min3A_336 [1] : vector<256x512xf32> to vector<256xf32>
    %broadcast_in_dim3A_338 = vector.shape_cast %reduce_min3A_337 : vector<256xf32> to vector<256x1xf32>
    %eq3A_339 = vector.broadcast %broadcast_in_dim3A_338 : vector<256x1xf32> to vector<256x512xf32>
    %eq3A_340 = arith.cmpf oeq, %select_n3A_335, %eq3A_339 : vector<256x512xf32>
    %jit3A_341 = arith.constant 512 : i32
    %broadcast_in_dim3A_342 = vector.broadcast %jit3A_341 : i32 to vector<256x512xi32>
    %select_n3A_343 = arith.select %eq3A_340, %iota3A, %broadcast_in_dim3A_342 : vector<256x512xi1>, vector<256x512xi32>
    %reduce_min3A_344 = arith.constant dense<2147483647> : vector<256xi32>
    %reduce_min3A_345 = vector.multi_reduction <minsi>, %select_n3A_343, %reduce_min3A_344 [1] : vector<256x512xi32> to vector<256xi32>
    %eq3A_346 = arith.constant 13 : i32
    %eq3A_347 = vector.broadcast %eq3A_346 : i32 to vector<256x20xi32>
    %eq3A_348 = arith.cmpi eq, %iota3A_22, %eq3A_347 : vector<256x20xi32>
    %broadcast_in_dim3A_349 = vector.shape_cast %reduce_min3A_345 : vector<256xi32> to vector<256x1xi32>
    %broadcast_in_dim3A_350 = vector.shape_cast %broadcast_in_dim3A_349 : vector<256x1xi32> to vector<256x1xi32>
    %broadcast_in_dim3A_351 = vector.broadcast %broadcast_in_dim3A_350 : vector<256x1xi32> to vector<256x20xi32>
    %select_n3A_352 = arith.select %eq3A_348, %broadcast_in_dim3A_351, %select_n3A_329 : vector<256x20xi1>, vector<256x20xi32>
    %broadcast_in_dim3A_353 = vector.shape_cast %reduce_min3A_345 : vector<256xi32> to vector<256x1xi32>
    %eq3A_354 = vector.broadcast %broadcast_in_dim3A_353 : vector<256x1xi32> to vector<256x512xi32>
    %eq3A_355 = arith.cmpi eq, %iota3A, %eq3A_354 : vector<256x512xi32>
    %jit3A_356 = arith.constant 0x7F800000 : f32
    %broadcast_in_dim3A_357 = vector.broadcast %jit3A_356 : f32 to vector<256x512xf32>
    %select_n3A_358 = arith.select %eq3A_355, %broadcast_in_dim3A_357, %select_n3A_335 : vector<256x512xi1>, vector<256x512xf32>
    %reduce_min3A_359 = arith.constant dense<0x7F800000> : vector<256xf32>
    %reduce_min3A_360 = vector.multi_reduction <minimumf>, %select_n3A_358, %reduce_min3A_359 [1] : vector<256x512xf32> to vector<256xf32>
    %broadcast_in_dim3A_361 = vector.shape_cast %reduce_min3A_360 : vector<256xf32> to vector<256x1xf32>
    %eq3A_362 = vector.broadcast %broadcast_in_dim3A_361 : vector<256x1xf32> to vector<256x512xf32>
    %eq3A_363 = arith.cmpf oeq, %select_n3A_358, %eq3A_362 : vector<256x512xf32>
    %jit3A_364 = arith.constant 512 : i32
    %broadcast_in_dim3A_365 = vector.broadcast %jit3A_364 : i32 to vector<256x512xi32>
    %select_n3A_366 = arith.select %eq3A_363, %iota3A, %broadcast_in_dim3A_365 : vector<256x512xi1>, vector<256x512xi32>
    %reduce_min3A_367 = arith.constant dense<2147483647> : vector<256xi32>
    %reduce_min3A_368 = vector.multi_reduction <minsi>, %select_n3A_366, %reduce_min3A_367 [1] : vector<256x512xi32> to vector<256xi32>
    %eq3A_369 = arith.constant 14 : i32
    %eq3A_370 = vector.broadcast %eq3A_369 : i32 to vector<256x20xi32>
    %eq3A_371 = arith.cmpi eq, %iota3A_22, %eq3A_370 : vector<256x20xi32>
    %broadcast_in_dim3A_372 = vector.shape_cast %reduce_min3A_368 : vector<256xi32> to vector<256x1xi32>
    %broadcast_in_dim3A_373 = vector.shape_cast %broadcast_in_dim3A_372 : vector<256x1xi32> to vector<256x1xi32>
    %broadcast_in_dim3A_374 = vector.broadcast %broadcast_in_dim3A_373 : vector<256x1xi32> to vector<256x20xi32>
    %select_n3A_375 = arith.select %eq3A_371, %broadcast_in_dim3A_374, %select_n3A_352 : vector<256x20xi1>, vector<256x20xi32>
    %broadcast_in_dim3A_376 = vector.shape_cast %reduce_min3A_368 : vector<256xi32> to vector<256x1xi32>
    %eq3A_377 = vector.broadcast %broadcast_in_dim3A_376 : vector<256x1xi32> to vector<256x512xi32>
    %eq3A_378 = arith.cmpi eq, %iota3A, %eq3A_377 : vector<256x512xi32>
    %jit3A_379 = arith.constant 0x7F800000 : f32
    %broadcast_in_dim3A_380 = vector.broadcast %jit3A_379 : f32 to vector<256x512xf32>
    %select_n3A_381 = arith.select %eq3A_378, %broadcast_in_dim3A_380, %select_n3A_358 : vector<256x512xi1>, vector<256x512xf32>
    %reduce_min3A_382 = arith.constant dense<0x7F800000> : vector<256xf32>
    %reduce_min3A_383 = vector.multi_reduction <minimumf>, %select_n3A_381, %reduce_min3A_382 [1] : vector<256x512xf32> to vector<256xf32>
    %broadcast_in_dim3A_384 = vector.shape_cast %reduce_min3A_383 : vector<256xf32> to vector<256x1xf32>
    %eq3A_385 = vector.broadcast %broadcast_in_dim3A_384 : vector<256x1xf32> to vector<256x512xf32>
    %eq3A_386 = arith.cmpf oeq, %select_n3A_381, %eq3A_385 : vector<256x512xf32>
    %jit3A_387 = arith.constant 512 : i32
    %broadcast_in_dim3A_388 = vector.broadcast %jit3A_387 : i32 to vector<256x512xi32>
    %select_n3A_389 = arith.select %eq3A_386, %iota3A, %broadcast_in_dim3A_388 : vector<256x512xi1>, vector<256x512xi32>
    %reduce_min3A_390 = arith.constant dense<2147483647> : vector<256xi32>
    %reduce_min3A_391 = vector.multi_reduction <minsi>, %select_n3A_389, %reduce_min3A_390 [1] : vector<256x512xi32> to vector<256xi32>
    %eq3A_392 = arith.constant 15 : i32
    %eq3A_393 = vector.broadcast %eq3A_392 : i32 to vector<256x20xi32>
    %eq3A_394 = arith.cmpi eq, %iota3A_22, %eq3A_393 : vector<256x20xi32>
    %broadcast_in_dim3A_395 = vector.shape_cast %reduce_min3A_391 : vector<256xi32> to vector<256x1xi32>
    %broadcast_in_dim3A_396 = vector.shape_cast %broadcast_in_dim3A_395 : vector<256x1xi32> to vector<256x1xi32>
    %broadcast_in_dim3A_397 = vector.broadcast %broadcast_in_dim3A_396 : vector<256x1xi32> to vector<256x20xi32>
    %select_n3A_398 = arith.select %eq3A_394, %broadcast_in_dim3A_397, %select_n3A_375 : vector<256x20xi1>, vector<256x20xi32>
    %broadcast_in_dim3A_399 = vector.shape_cast %reduce_min3A_391 : vector<256xi32> to vector<256x1xi32>
    %eq3A_400 = vector.broadcast %broadcast_in_dim3A_399 : vector<256x1xi32> to vector<256x512xi32>
    %eq3A_401 = arith.cmpi eq, %iota3A, %eq3A_400 : vector<256x512xi32>
    %jit3A_402 = arith.constant 0x7F800000 : f32
    %broadcast_in_dim3A_403 = vector.broadcast %jit3A_402 : f32 to vector<256x512xf32>
    %select_n3A_404 = arith.select %eq3A_401, %broadcast_in_dim3A_403, %select_n3A_381 : vector<256x512xi1>, vector<256x512xf32>
    %reduce_min3A_405 = arith.constant dense<0x7F800000> : vector<256xf32>
    %reduce_min3A_406 = vector.multi_reduction <minimumf>, %select_n3A_404, %reduce_min3A_405 [1] : vector<256x512xf32> to vector<256xf32>
    %broadcast_in_dim3A_407 = vector.shape_cast %reduce_min3A_406 : vector<256xf32> to vector<256x1xf32>
    %eq3A_408 = vector.broadcast %broadcast_in_dim3A_407 : vector<256x1xf32> to vector<256x512xf32>
    %eq3A_409 = arith.cmpf oeq, %select_n3A_404, %eq3A_408 : vector<256x512xf32>
    %jit3A_410 = arith.constant 512 : i32
    %broadcast_in_dim3A_411 = vector.broadcast %jit3A_410 : i32 to vector<256x512xi32>
    %select_n3A_412 = arith.select %eq3A_409, %iota3A, %broadcast_in_dim3A_411 : vector<256x512xi1>, vector<256x512xi32>
    %reduce_min3A_413 = arith.constant dense<2147483647> : vector<256xi32>
    %reduce_min3A_414 = vector.multi_reduction <minsi>, %select_n3A_412, %reduce_min3A_413 [1] : vector<256x512xi32> to vector<256xi32>
    %eq3A_415 = arith.constant 16 : i32
    %eq3A_416 = vector.broadcast %eq3A_415 : i32 to vector<256x20xi32>
    %eq3A_417 = arith.cmpi eq, %iota3A_22, %eq3A_416 : vector<256x20xi32>
    %broadcast_in_dim3A_418 = vector.shape_cast %reduce_min3A_414 : vector<256xi32> to vector<256x1xi32>
    %broadcast_in_dim3A_419 = vector.shape_cast %broadcast_in_dim3A_418 : vector<256x1xi32> to vector<256x1xi32>
    %broadcast_in_dim3A_420 = vector.broadcast %broadcast_in_dim3A_419 : vector<256x1xi32> to vector<256x20xi32>
    %select_n3A_421 = arith.select %eq3A_417, %broadcast_in_dim3A_420, %select_n3A_398 : vector<256x20xi1>, vector<256x20xi32>
    %broadcast_in_dim3A_422 = vector.shape_cast %reduce_min3A_414 : vector<256xi32> to vector<256x1xi32>
    %eq3A_423 = vector.broadcast %broadcast_in_dim3A_422 : vector<256x1xi32> to vector<256x512xi32>
    %eq3A_424 = arith.cmpi eq, %iota3A, %eq3A_423 : vector<256x512xi32>
    %jit3A_425 = arith.constant 0x7F800000 : f32
    %broadcast_in_dim3A_426 = vector.broadcast %jit3A_425 : f32 to vector<256x512xf32>
    %select_n3A_427 = arith.select %eq3A_424, %broadcast_in_dim3A_426, %select_n3A_404 : vector<256x512xi1>, vector<256x512xf32>
    %reduce_min3A_428 = arith.constant dense<0x7F800000> : vector<256xf32>
    %reduce_min3A_429 = vector.multi_reduction <minimumf>, %select_n3A_427, %reduce_min3A_428 [1] : vector<256x512xf32> to vector<256xf32>
    %broadcast_in_dim3A_430 = vector.shape_cast %reduce_min3A_429 : vector<256xf32> to vector<256x1xf32>
    %eq3A_431 = vector.broadcast %broadcast_in_dim3A_430 : vector<256x1xf32> to vector<256x512xf32>
    %eq3A_432 = arith.cmpf oeq, %select_n3A_427, %eq3A_431 : vector<256x512xf32>
    %jit3A_433 = arith.constant 512 : i32
    %broadcast_in_dim3A_434 = vector.broadcast %jit3A_433 : i32 to vector<256x512xi32>
    %select_n3A_435 = arith.select %eq3A_432, %iota3A, %broadcast_in_dim3A_434 : vector<256x512xi1>, vector<256x512xi32>
    %reduce_min3A_436 = arith.constant dense<2147483647> : vector<256xi32>
    %reduce_min3A_437 = vector.multi_reduction <minsi>, %select_n3A_435, %reduce_min3A_436 [1] : vector<256x512xi32> to vector<256xi32>
    %eq3A_438 = arith.constant 17 : i32
    %eq3A_439 = vector.broadcast %eq3A_438 : i32 to vector<256x20xi32>
    %eq3A_440 = arith.cmpi eq, %iota3A_22, %eq3A_439 : vector<256x20xi32>
    %broadcast_in_dim3A_441 = vector.shape_cast %reduce_min3A_437 : vector<256xi32> to vector<256x1xi32>
    %broadcast_in_dim3A_442 = vector.shape_cast %broadcast_in_dim3A_441 : vector<256x1xi32> to vector<256x1xi32>
    %broadcast_in_dim3A_443 = vector.broadcast %broadcast_in_dim3A_442 : vector<256x1xi32> to vector<256x20xi32>
    %select_n3A_444 = arith.select %eq3A_440, %broadcast_in_dim3A_443, %select_n3A_421 : vector<256x20xi1>, vector<256x20xi32>
    %broadcast_in_dim3A_445 = vector.shape_cast %reduce_min3A_437 : vector<256xi32> to vector<256x1xi32>
    %eq3A_446 = vector.broadcast %broadcast_in_dim3A_445 : vector<256x1xi32> to vector<256x512xi32>
    %eq3A_447 = arith.cmpi eq, %iota3A, %eq3A_446 : vector<256x512xi32>
    %jit3A_448 = arith.constant 0x7F800000 : f32
    %broadcast_in_dim3A_449 = vector.broadcast %jit3A_448 : f32 to vector<256x512xf32>
    %select_n3A_450 = arith.select %eq3A_447, %broadcast_in_dim3A_449, %select_n3A_427 : vector<256x512xi1>, vector<256x512xf32>
    %reduce_min3A_451 = arith.constant dense<0x7F800000> : vector<256xf32>
    %reduce_min3A_452 = vector.multi_reduction <minimumf>, %select_n3A_450, %reduce_min3A_451 [1] : vector<256x512xf32> to vector<256xf32>
    %broadcast_in_dim3A_453 = vector.shape_cast %reduce_min3A_452 : vector<256xf32> to vector<256x1xf32>
    %eq3A_454 = vector.broadcast %broadcast_in_dim3A_453 : vector<256x1xf32> to vector<256x512xf32>
    %eq3A_455 = arith.cmpf oeq, %select_n3A_450, %eq3A_454 : vector<256x512xf32>
    %jit3A_456 = arith.constant 512 : i32
    %broadcast_in_dim3A_457 = vector.broadcast %jit3A_456 : i32 to vector<256x512xi32>
    %select_n3A_458 = arith.select %eq3A_455, %iota3A, %broadcast_in_dim3A_457 : vector<256x512xi1>, vector<256x512xi32>
    %reduce_min3A_459 = arith.constant dense<2147483647> : vector<256xi32>
    %reduce_min3A_460 = vector.multi_reduction <minsi>, %select_n3A_458, %reduce_min3A_459 [1] : vector<256x512xi32> to vector<256xi32>
    %eq3A_461 = arith.constant 18 : i32
    %eq3A_462 = vector.broadcast %eq3A_461 : i32 to vector<256x20xi32>
    %eq3A_463 = arith.cmpi eq, %iota3A_22, %eq3A_462 : vector<256x20xi32>
    %broadcast_in_dim3A_464 = vector.shape_cast %reduce_min3A_460 : vector<256xi32> to vector<256x1xi32>
    %broadcast_in_dim3A_465 = vector.shape_cast %broadcast_in_dim3A_464 : vector<256x1xi32> to vector<256x1xi32>
    %broadcast_in_dim3A_466 = vector.broadcast %broadcast_in_dim3A_465 : vector<256x1xi32> to vector<256x20xi32>
    %select_n3A_467 = arith.select %eq3A_463, %broadcast_in_dim3A_466, %select_n3A_444 : vector<256x20xi1>, vector<256x20xi32>
    %broadcast_in_dim3A_468 = vector.shape_cast %reduce_min3A_460 : vector<256xi32> to vector<256x1xi32>
    %eq3A_469 = vector.broadcast %broadcast_in_dim3A_468 : vector<256x1xi32> to vector<256x512xi32>
    %eq3A_470 = arith.cmpi eq, %iota3A, %eq3A_469 : vector<256x512xi32>
    %jit3A_471 = arith.constant 0x7F800000 : f32
    %broadcast_in_dim3A_472 = vector.broadcast %jit3A_471 : f32 to vector<256x512xf32>
    %select_n3A_473 = arith.select %eq3A_470, %broadcast_in_dim3A_472, %select_n3A_450 : vector<256x512xi1>, vector<256x512xf32>
    %reduce_min3A_474 = arith.constant dense<0x7F800000> : vector<256xf32>
    %reduce_min3A_475 = vector.multi_reduction <minimumf>, %select_n3A_473, %reduce_min3A_474 [1] : vector<256x512xf32> to vector<256xf32>
    %broadcast_in_dim3A_476 = vector.shape_cast %reduce_min3A_475 : vector<256xf32> to vector<256x1xf32>
    %eq3A_477 = vector.broadcast %broadcast_in_dim3A_476 : vector<256x1xf32> to vector<256x512xf32>
    %eq3A_478 = arith.cmpf oeq, %select_n3A_473, %eq3A_477 : vector<256x512xf32>
    %jit3A_479 = arith.constant 512 : i32
    %broadcast_in_dim3A_480 = vector.broadcast %jit3A_479 : i32 to vector<256x512xi32>
    %select_n3A_481 = arith.select %eq3A_478, %iota3A, %broadcast_in_dim3A_480 : vector<256x512xi1>, vector<256x512xi32>
    %reduce_min3A_482 = arith.constant dense<2147483647> : vector<256xi32>
    %reduce_min3A_483 = vector.multi_reduction <minsi>, %select_n3A_481, %reduce_min3A_482 [1] : vector<256x512xi32> to vector<256xi32>
    %eq3A_484 = arith.constant 19 : i32
    %eq3A_485 = vector.broadcast %eq3A_484 : i32 to vector<256x20xi32>
    %eq3A_486 = arith.cmpi eq, %iota3A_22, %eq3A_485 : vector<256x20xi32>
    %broadcast_in_dim3A_487 = vector.shape_cast %reduce_min3A_483 : vector<256xi32> to vector<256x1xi32>
    %broadcast_in_dim3A_488 = vector.shape_cast %broadcast_in_dim3A_487 : vector<256x1xi32> to vector<256x1xi32>
    %broadcast_in_dim3A_489 = vector.broadcast %broadcast_in_dim3A_488 : vector<256x1xi32> to vector<256x20xi32>
    %select_n3A_490 = arith.select %eq3A_486, %broadcast_in_dim3A_489, %select_n3A_467 : vector<256x20xi1>, vector<256x20xi32>
    %swap3A = arith.constant 0 : index
    %swap3A_491 = arith.constant 0 : index
    %swap3A_492 = arith.constant 0 : index
    %swap3A_493 = vector.load %arg5[%swap3A, %swap3A_491, %swap3A_492] : memref<1x256x20xi32, #tpu.memory_space<vmem>>, vector<1x256x20xi32>
    %swap3A_494 = vector.shape_cast %swap3A_493 : vector<1x256x20xi32> to vector<256x20xi32>
    %swap3A_495 = vector.shape_cast %select_n3A_490 : vector<256x20xi32> to vector<1x256x20xi32>
    tpu.vector_store %arg5[%swap3A, %swap3A_491, %swap3A_492], %swap3A_495 {strides = array<i32>} : memref<1x256x20xi32, #tpu.memory_space<vmem>>, vector<1x256x20xi32>,
    return
  }
  func.func @transform_0(%arg0: i32, %arg1: i32) -> (i32, i32, i32) {
    %c0_i32 = arith.constant 0 : i32
    %c0_i32_0 = arith.constant 0 : i32
    return %arg0, %arg1, %c0_i32 : i32, i32, i32
  }
  func.func @transform_1(%arg0: i32, %arg1: i32) -> (i32, i32, i32) {
    %c0_i32 = arith.constant 0 : i32
    %c0_i32_0 = arith.constant 0 : i32
    %c0_i32_1 = arith.constant 0 : i32
    return %arg0, %c0_i32, %c0_i32_0 : i32, i32, i32
  }
  func.func @transform_2(%arg0: i32, %arg1: i32) -> (i32, i32, i32) {
    %c0_i32 = arith.constant 0 : i32
    %c0_i32_0 = arith.constant 0 : i32
    %c0_i32_1 = arith.constant 0 : i32
    return %arg0, %c0_i32, %c0_i32_0 : i32, i32, i32
  }
  func.func @transform_3(%arg0: i32, %arg1: i32) -> (i32, i32, i32) {
    %c0_i32 = arith.constant 0 : i32
    %c0_i32_0 = arith.constant 0 : i32
    return %arg0, %arg1, %c0_i32 : i32, i32, i32
  }
}

module attributes {stable_mosaic.version = 14 : i64} {
  func.func @_knn_body(%arg0: i32, %arg1: i32, %arg2: memref<1x256x3xf32, #tpu.memory_space<vmem>>, %arg3: memref<1x3x2048xf32, #tpu.memory_space<vmem>>, %arg4: memref<1x1x2048xf32, #tpu.memory_space<vmem>>, %arg5: memref<1x256x4xi32, #tpu.memory_space<vmem>>) attributes {dimension_semantics = [#tpu.dimension_semantics<arbitrary>, #tpu.dimension_semantics<arbitrary>], iteration_bounds = array<i64: 8, 2>, scalar_prefetch = 0 : i64, scratch_operands = 0 : i64, tpu.core_type = #tpu.core_type<tc>, window_params = [{transform_indices = @transform_0, window_bounds = array<i64: 1, 256, 3>}, {transform_indices = @transform_1, window_bounds = array<i64: 1, 3, 2048>}, {transform_indices = @transform_2, window_bounds = array<i64: 1, 1, 2048>}, {transform_indices = @transform_3, window_bounds = array<i64: 1, 256, 4>}]} {
    %get3A = arith.constant 0 : index
    %get3A_0 = arith.constant 0 : index
    %get3A_1 = arith.constant 0 : index
    %get3A_2 = vector.load %arg2[%get3A, %get3A_0, %get3A_1] : memref<1x256x3xf32, #tpu.memory_space<vmem>>, vector<1x256x3xf32>
    %get3A_3 = vector.shape_cast %get3A_2 : vector<1x256x3xf32> to vector<256x3xf32>
    %get3A_4 = arith.constant 0 : index
    %get3A_5 = arith.constant 0 : index
    %get3A_6 = arith.constant 0 : index
    %get3A_7 = vector.load %arg3[%get3A_4, %get3A_5, %get3A_6] : memref<1x3x2048xf32, #tpu.memory_space<vmem>>, vector<1x3x2048xf32>
    %get3A_8 = vector.shape_cast %get3A_7 : vector<1x3x2048xf32> to vector<3x2048xf32>
    %get3A_9 = arith.constant 0 : index
    %get3A_10 = arith.constant 0 : index
    %get3A_11 = arith.constant 0 : index
    %get3A_12 = vector.load %arg4[%get3A_9, %get3A_10, %get3A_11] : memref<1x1x2048xf32, #tpu.memory_space<vmem>>, vector<1x1x2048xf32>
    %get3A_13 = vector.shape_cast %get3A_12 : vector<1x1x2048xf32> to vector<1x2048xf32>
    %dot_general3A = arith.constant dense<0.000000e+00> : vector<256x2048xf32>
    %dot_general3A_14 = tpu.matmul %get3A_3, %get3A_8, %dot_general3A {dimension_numbers = #tpu.dot_dimension_numbers<[1], [0], [0], [1], [0, 0, 1, 1], [], []>, transpose_lhs_hint = false} : vector<256x3xf32>, vector<3x2048xf32>, vector<256x2048xf32> -> vector<256x2048xf32>
    %mul3A = arith.mulf %get3A_3, %get3A_3 : vector<256x3xf32>
    %reduce_sum3A = arith.constant dense<0.000000e+00> : vector<256xf32>
    %reduce_sum3A_15 = vector.multi_reduction <add>, %mul3A, %reduce_sum3A [1] : vector<256x3xf32> to vector<256xf32>
    %broadcast_in_dim3A = vector.shape_cast %reduce_sum3A_15 : vector<256xf32> to vector<256x1xf32>
    %mul3A_16 = arith.constant -2.000000e+00 : f32
    %mul3A_17 = vector.broadcast %mul3A_16 : f32 to vector<256x2048xf32>
    %mul3A_18 = arith.mulf %mul3A_17, %dot_general3A_14 : vector<256x2048xf32>
    %add3A = vector.broadcast %get3A_13 : vector<1x2048xf32> to vector<256x2048xf32>
    %add3A_19 = arith.addf %mul3A_18, %add3A : vector<256x2048xf32>
    %add3A_20 = vector.broadcast %broadcast_in_dim3A : vector<256x1xf32> to vector<256x2048xf32>
    %add3A_21 = arith.addf %add3A_19, %add3A_20 : vector<256x2048xf32>
    %iota3A = tpu.iota {dimensions = array<i32: 1>} : vector<256x2048xi32>
    %iota3A_22 = tpu.iota {dimensions = array<i32: 1>} : vector<256x4xi32>
    %broadcast_in_dim3A_23 = arith.constant 0 : i32
    %broadcast_in_dim3A_24 = vector.broadcast %broadcast_in_dim3A_23 : i32 to vector<256x4xi32>
    %reduce_min3A = arith.constant dense<0x7F800000> : vector<256xf32>
    %reduce_min3A_25 = vector.multi_reduction <minimumf>, %add3A_21, %reduce_min3A [1] : vector<256x2048xf32> to vector<256xf32>
    %broadcast_in_dim3A_26 = vector.shape_cast %reduce_min3A_25 : vector<256xf32> to vector<256x1xf32>
    %eq3A = vector.broadcast %broadcast_in_dim3A_26 : vector<256x1xf32> to vector<256x2048xf32>
    %eq3A_27 = arith.cmpf oeq, %add3A_21, %eq3A : vector<256x2048xf32>
    %jit3A = arith.constant 2048 : i32
    %broadcast_in_dim3A_28 = vector.broadcast %jit3A : i32 to vector<256x2048xi32>
    %select_n3A = arith.select %eq3A_27, %iota3A, %broadcast_in_dim3A_28 : vector<256x2048xi1>, vector<256x2048xi32>
    %reduce_min3A_29 = arith.constant dense<2147483647> : vector<256xi32>
    %reduce_min3A_30 = vector.multi_reduction <minsi>, %select_n3A, %reduce_min3A_29 [1] : vector<256x2048xi32> to vector<256xi32>
    %broadcast_in_dim3A_31 = vector.shape_cast %reduce_min3A_30 : vector<256xi32> to vector<256x1xi32>
    %eq3A_32 = vector.broadcast %broadcast_in_dim3A_31 : vector<256x1xi32> to vector<256x2048xi32>
    %eq3A_33 = arith.cmpi eq, %iota3A, %eq3A_32 : vector<256x2048xi32>
    %jit3A_34 = arith.constant 0x7F800000 : f32
    %broadcast_in_dim3A_35 = vector.broadcast %jit3A_34 : f32 to vector<256x2048xf32>
    %select_n3A_36 = arith.select %eq3A_33, %broadcast_in_dim3A_35, %add3A_21 : vector<256x2048xi1>, vector<256x2048xf32>
    %reduce_min3A_37 = arith.constant dense<0x7F800000> : vector<256xf32>
    %reduce_min3A_38 = vector.multi_reduction <minimumf>, %select_n3A_36, %reduce_min3A_37 [1] : vector<256x2048xf32> to vector<256xf32>
    %broadcast_in_dim3A_39 = vector.shape_cast %reduce_min3A_38 : vector<256xf32> to vector<256x1xf32>
    %eq3A_40 = vector.broadcast %broadcast_in_dim3A_39 : vector<256x1xf32> to vector<256x2048xf32>
    %eq3A_41 = arith.cmpf oeq, %select_n3A_36, %eq3A_40 : vector<256x2048xf32>
    %jit3A_42 = arith.constant 2048 : i32
    %broadcast_in_dim3A_43 = vector.broadcast %jit3A_42 : i32 to vector<256x2048xi32>
    %select_n3A_44 = arith.select %eq3A_41, %iota3A, %broadcast_in_dim3A_43 : vector<256x2048xi1>, vector<256x2048xi32>
    %reduce_min3A_45 = arith.constant dense<2147483647> : vector<256xi32>
    %reduce_min3A_46 = vector.multi_reduction <minsi>, %select_n3A_44, %reduce_min3A_45 [1] : vector<256x2048xi32> to vector<256xi32>
    %eq3A_47 = arith.constant 0 : i32
    %eq3A_48 = vector.broadcast %eq3A_47 : i32 to vector<256x4xi32>
    %eq3A_49 = arith.cmpi eq, %iota3A_22, %eq3A_48 : vector<256x4xi32>
    %broadcast_in_dim3A_50 = vector.shape_cast %reduce_min3A_46 : vector<256xi32> to vector<256x1xi32>
    %broadcast_in_dim3A_51 = vector.shape_cast %broadcast_in_dim3A_50 : vector<256x1xi32> to vector<256x1xi32>
    %broadcast_in_dim3A_52 = vector.broadcast %broadcast_in_dim3A_51 : vector<256x1xi32> to vector<256x4xi32>
    %select_n3A_53 = arith.select %eq3A_49, %broadcast_in_dim3A_52, %broadcast_in_dim3A_24 : vector<256x4xi1>, vector<256x4xi32>
    %broadcast_in_dim3A_54 = vector.shape_cast %reduce_min3A_46 : vector<256xi32> to vector<256x1xi32>
    %eq3A_55 = vector.broadcast %broadcast_in_dim3A_54 : vector<256x1xi32> to vector<256x2048xi32>
    %eq3A_56 = arith.cmpi eq, %iota3A, %eq3A_55 : vector<256x2048xi32>
    %jit3A_57 = arith.constant 0x7F800000 : f32
    %broadcast_in_dim3A_58 = vector.broadcast %jit3A_57 : f32 to vector<256x2048xf32>
    %select_n3A_59 = arith.select %eq3A_56, %broadcast_in_dim3A_58, %select_n3A_36 : vector<256x2048xi1>, vector<256x2048xf32>
    %reduce_min3A_60 = arith.constant dense<0x7F800000> : vector<256xf32>
    %reduce_min3A_61 = vector.multi_reduction <minimumf>, %select_n3A_59, %reduce_min3A_60 [1] : vector<256x2048xf32> to vector<256xf32>
    %broadcast_in_dim3A_62 = vector.shape_cast %reduce_min3A_61 : vector<256xf32> to vector<256x1xf32>
    %eq3A_63 = vector.broadcast %broadcast_in_dim3A_62 : vector<256x1xf32> to vector<256x2048xf32>
    %eq3A_64 = arith.cmpf oeq, %select_n3A_59, %eq3A_63 : vector<256x2048xf32>
    %jit3A_65 = arith.constant 2048 : i32
    %broadcast_in_dim3A_66 = vector.broadcast %jit3A_65 : i32 to vector<256x2048xi32>
    %select_n3A_67 = arith.select %eq3A_64, %iota3A, %broadcast_in_dim3A_66 : vector<256x2048xi1>, vector<256x2048xi32>
    %reduce_min3A_68 = arith.constant dense<2147483647> : vector<256xi32>
    %reduce_min3A_69 = vector.multi_reduction <minsi>, %select_n3A_67, %reduce_min3A_68 [1] : vector<256x2048xi32> to vector<256xi32>
    %eq3A_70 = arith.constant 1 : i32
    %eq3A_71 = vector.broadcast %eq3A_70 : i32 to vector<256x4xi32>
    %eq3A_72 = arith.cmpi eq, %iota3A_22, %eq3A_71 : vector<256x4xi32>
    %broadcast_in_dim3A_73 = vector.shape_cast %reduce_min3A_69 : vector<256xi32> to vector<256x1xi32>
    %broadcast_in_dim3A_74 = vector.shape_cast %broadcast_in_dim3A_73 : vector<256x1xi32> to vector<256x1xi32>
    %broadcast_in_dim3A_75 = vector.broadcast %broadcast_in_dim3A_74 : vector<256x1xi32> to vector<256x4xi32>
    %select_n3A_76 = arith.select %eq3A_72, %broadcast_in_dim3A_75, %select_n3A_53 : vector<256x4xi1>, vector<256x4xi32>
    %broadcast_in_dim3A_77 = vector.shape_cast %reduce_min3A_69 : vector<256xi32> to vector<256x1xi32>
    %eq3A_78 = vector.broadcast %broadcast_in_dim3A_77 : vector<256x1xi32> to vector<256x2048xi32>
    %eq3A_79 = arith.cmpi eq, %iota3A, %eq3A_78 : vector<256x2048xi32>
    %jit3A_80 = arith.constant 0x7F800000 : f32
    %broadcast_in_dim3A_81 = vector.broadcast %jit3A_80 : f32 to vector<256x2048xf32>
    %select_n3A_82 = arith.select %eq3A_79, %broadcast_in_dim3A_81, %select_n3A_59 : vector<256x2048xi1>, vector<256x2048xf32>
    %reduce_min3A_83 = arith.constant dense<0x7F800000> : vector<256xf32>
    %reduce_min3A_84 = vector.multi_reduction <minimumf>, %select_n3A_82, %reduce_min3A_83 [1] : vector<256x2048xf32> to vector<256xf32>
    %broadcast_in_dim3A_85 = vector.shape_cast %reduce_min3A_84 : vector<256xf32> to vector<256x1xf32>
    %eq3A_86 = vector.broadcast %broadcast_in_dim3A_85 : vector<256x1xf32> to vector<256x2048xf32>
    %eq3A_87 = arith.cmpf oeq, %select_n3A_82, %eq3A_86 : vector<256x2048xf32>
    %jit3A_88 = arith.constant 2048 : i32
    %broadcast_in_dim3A_89 = vector.broadcast %jit3A_88 : i32 to vector<256x2048xi32>
    %select_n3A_90 = arith.select %eq3A_87, %iota3A, %broadcast_in_dim3A_89 : vector<256x2048xi1>, vector<256x2048xi32>
    %reduce_min3A_91 = arith.constant dense<2147483647> : vector<256xi32>
    %reduce_min3A_92 = vector.multi_reduction <minsi>, %select_n3A_90, %reduce_min3A_91 [1] : vector<256x2048xi32> to vector<256xi32>
    %eq3A_93 = arith.constant 2 : i32
    %eq3A_94 = vector.broadcast %eq3A_93 : i32 to vector<256x4xi32>
    %eq3A_95 = arith.cmpi eq, %iota3A_22, %eq3A_94 : vector<256x4xi32>
    %broadcast_in_dim3A_96 = vector.shape_cast %reduce_min3A_92 : vector<256xi32> to vector<256x1xi32>
    %broadcast_in_dim3A_97 = vector.shape_cast %broadcast_in_dim3A_96 : vector<256x1xi32> to vector<256x1xi32>
    %broadcast_in_dim3A_98 = vector.broadcast %broadcast_in_dim3A_97 : vector<256x1xi32> to vector<256x4xi32>
    %select_n3A_99 = arith.select %eq3A_95, %broadcast_in_dim3A_98, %select_n3A_76 : vector<256x4xi1>, vector<256x4xi32>
    %broadcast_in_dim3A_100 = vector.shape_cast %reduce_min3A_92 : vector<256xi32> to vector<256x1xi32>
    %eq3A_101 = vector.broadcast %broadcast_in_dim3A_100 : vector<256x1xi32> to vector<256x2048xi32>
    %eq3A_102 = arith.cmpi eq, %iota3A, %eq3A_101 : vector<256x2048xi32>
    %jit3A_103 = arith.constant 0x7F800000 : f32
    %broadcast_in_dim3A_104 = vector.broadcast %jit3A_103 : f32 to vector<256x2048xf32>
    %select_n3A_105 = arith.select %eq3A_102, %broadcast_in_dim3A_104, %select_n3A_82 : vector<256x2048xi1>, vector<256x2048xf32>
    %reduce_min3A_106 = arith.constant dense<0x7F800000> : vector<256xf32>
    %reduce_min3A_107 = vector.multi_reduction <minimumf>, %select_n3A_105, %reduce_min3A_106 [1] : vector<256x2048xf32> to vector<256xf32>
    %broadcast_in_dim3A_108 = vector.shape_cast %reduce_min3A_107 : vector<256xf32> to vector<256x1xf32>
    %eq3A_109 = vector.broadcast %broadcast_in_dim3A_108 : vector<256x1xf32> to vector<256x2048xf32>
    %eq3A_110 = arith.cmpf oeq, %select_n3A_105, %eq3A_109 : vector<256x2048xf32>
    %jit3A_111 = arith.constant 2048 : i32
    %broadcast_in_dim3A_112 = vector.broadcast %jit3A_111 : i32 to vector<256x2048xi32>
    %select_n3A_113 = arith.select %eq3A_110, %iota3A, %broadcast_in_dim3A_112 : vector<256x2048xi1>, vector<256x2048xi32>
    %reduce_min3A_114 = arith.constant dense<2147483647> : vector<256xi32>
    %reduce_min3A_115 = vector.multi_reduction <minsi>, %select_n3A_113, %reduce_min3A_114 [1] : vector<256x2048xi32> to vector<256xi32>
    %eq3A_116 = arith.constant 3 : i32
    %eq3A_117 = vector.broadcast %eq3A_116 : i32 to vector<256x4xi32>
    %eq3A_118 = arith.cmpi eq, %iota3A_22, %eq3A_117 : vector<256x4xi32>
    %broadcast_in_dim3A_119 = vector.shape_cast %reduce_min3A_115 : vector<256xi32> to vector<256x1xi32>
    %broadcast_in_dim3A_120 = vector.shape_cast %broadcast_in_dim3A_119 : vector<256x1xi32> to vector<256x1xi32>
    %broadcast_in_dim3A_121 = vector.broadcast %broadcast_in_dim3A_120 : vector<256x1xi32> to vector<256x4xi32>
    %select_n3A_122 = arith.select %eq3A_118, %broadcast_in_dim3A_121, %select_n3A_99 : vector<256x4xi1>, vector<256x4xi32>
    %swap3A = arith.constant 0 : index
    %swap3A_123 = arith.constant 0 : index
    %swap3A_124 = arith.constant 0 : index
    %swap3A_125 = vector.load %arg5[%swap3A, %swap3A_123, %swap3A_124] : memref<1x256x4xi32, #tpu.memory_space<vmem>>, vector<1x256x4xi32>
    %swap3A_126 = vector.shape_cast %swap3A_125 : vector<1x256x4xi32> to vector<256x4xi32>
    %swap3A_127 = vector.shape_cast %select_n3A_122 : vector<256x4xi32> to vector<1x256x4xi32>
    tpu.vector_store %arg5[%swap3A, %swap3A_123, %swap3A_124], %swap3A_127 {strides = array<i32>} : memref<1x256x4xi32, #tpu.memory_space<vmem>>, vector<1x256x4xi32>,
    return
  }
  func.func @transform_0(%arg0: i32, %arg1: i32) -> (i32, i32, i32) {
    %c0_i32 = arith.constant 0 : i32
    %c0_i32_0 = arith.constant 0 : i32
    return %arg0, %arg1, %c0_i32 : i32, i32, i32
  }
  func.func @transform_1(%arg0: i32, %arg1: i32) -> (i32, i32, i32) {
    %c0_i32 = arith.constant 0 : i32
    %c0_i32_0 = arith.constant 0 : i32
    %c0_i32_1 = arith.constant 0 : i32
    return %arg0, %c0_i32, %c0_i32_0 : i32, i32, i32
  }
  func.func @transform_2(%arg0: i32, %arg1: i32) -> (i32, i32, i32) {
    %c0_i32 = arith.constant 0 : i32
    %c0_i32_0 = arith.constant 0 : i32
    %c0_i32_1 = arith.constant 0 : i32
    return %arg0, %c0_i32, %c0_i32_0 : i32, i32, i32
  }
  func.func @transform_3(%arg0: i32, %arg1: i32) -> (i32, i32, i32) {
    %c0_i32 = arith.constant 0 : i32
    %c0_i32_0 = arith.constant 0 : i32
    return %arg0, %arg1, %c0_i32 : i32, i32, i32
  }
}

</mosaic_0001>

<sc_bundles>
// kernel: sparse-core-data-format-call.cloned.1.call-start
scs
called_computation_lowered:
.L_overlay_start_0:
0x0: {  	s1 =	sld [smem:$0x3FD9]  }
0x1: {  	s2 =	sld [smem:$0x3FFE];
	_ =	sdelay $0x1  }
0x2: {  	s3 =	srdreg.scid  }
0x3: {  	s0 =	sand.u32 $0x1, s3  }
0x4: {  	s17 =	sshll.u32 s0, $0xA;
	s1 =	sadd.s32 s2, s1  }
0x5: {  	s1 =	sadd.s32 s1, s17  }
0x6: {  	[smem:$0x3F94] =	sst s1  }
0x7: {  	_ = 	snop  }
0x8: {  	(tm) =	ssettm $0x1  }
0x9: {  	s18 =	sld [smem:$0x3FFB];
	_ =	sdelay $0x3  }
0xa: {  	_ =	strace s18  }
0xb: {  	s1 =	sld [smem:$0x3FFC];
	_ =	sdelay $0x3  }
0xc: {  	_ =	strace s1  }
0xd: {  	s1 =	sld [smem:$0x3FFD];
	_ =	sdelay $0x3  }
0xe: {  	_ =	strace s1  }
0xf: {  	_ =	strace $0x8FFFFFFF  }
0x10: {  	s19 =	sld [smem:$0x3FDB];
	_ =	sdelay $0x1  }
0x11: {  	s20 =	simm.s32 $_scs_section_size  }
0x12: {  	s4 =	simm.s32 $_size__tile_overlayer_lowered;
	s5 =	simm.s32 $_tile_overlayer_lowered  }
0x13: {  	s23 =	simm.s32 $0x1BFF;
	s22 =	sshll.u32 s5, $0x1;
	s1 =	sadd.s32 s20, s19  }
0x14: {  	s6 =	simm.s32 $0x0;
	s21 =	sshll.u32 s4, $0x1;
	s4 =	sadd.s32 s22, s1  }
0x15: {  	[timem:s6], [sflag:s23] =	dma.local [hbm:s4], s21  }
0x16: {  	_ =	swait.ge [sflag:s23], s21  }
0x17: {  	s2 =	ssub.s32 $0x0, s21;
	[sflag:s23] =	ssyncset.done $0x0  }
0x18: {  	[sflag:s23] =	ssyncadd.s32 s2;
	_ =	sdelay $0x1  }
0x19: {  	s24 =	simm.s32 $0x1B8B  }
0x1a: {  	_ =	swait.ge [sflag:s24], $0x1  }
0x1b: {  	[sflag:s24] =	ssyncset.done $0x0  }
0x1c: {  	s26 =	simm.s32 $0x1B8E;
	s25 =	sld [smem:$0x3FFE];
	[sflag:s24] =	ssyncadd.s32 $0xFFFFFFFF  }
0x1d: {  	s27 =	simm.s32 $execute0_lowered;
	[smem:$0x3FD2] =	sst s26  }
0x1e: {  	s4 =	sshll.u32 s27, $0x1;
	_ =	strace $0x80000046;
	[dreg:$0x1] =	wrdreg $0xFFFFFFFF  }
0x1f: {  	s28 =	simm.s32 $_size_execute0_lowered;
	s1 =	sadd.s32 s1, s4;
	[dreg:$0x0] =	wrdreg $0x0  }
0x20: {  	s4 =	sshll.u32 s28, $0x1;
	[dreg:$0x2] =	wrdreg s1  }
0x21: {  	[dreg:$0x3] =	wrdreg s4  }
0x22: {  	[dreg:$0x4] =	wrdreg $0xC0  }
0x23: {  	_ =	task [dreg:s6], $0x5FFFF  }
0x24: {  	[dreg:$0x1] =	wrdreg $0xFFFFFFFF  }
0x25: {  	[dreg:$0x0] =	wrdreg $0x60  }
0x26: {  	[dreg:$0x2] =	wrdreg s25  }
0x27: {  	[dreg:$0x3] =	wrdreg $0x9  }
0x28: {  	_ =	task.clear_ibuf [dreg:s6], $0x4FFFF;
	_ =	strace $0x90000046  }
0x29: {  	s29 =	simm.s32 $0x9;
	_ =	strace $0x80000048  }
0x2a: {  	_ =	swait.ge [sflag:s29], $0x1  }
0x2b: {  	[sflag:s29] =	ssyncadd.s32 $0xFFFFFFFF  }
0x2c: {  	_ =	strace $0x90000048  }
0x2d: {  	_ =	sfence  }
0x2e: {  	s30 =	sld [smem:$0x0];
	_ =	sdelay $0x2  }
0x2f: {  	s31 =	sshll.u32 s3, $0xD;
	s3 =	sshrl.u32 s3, $0x2  }
0x30: {  	s2 =	sand.u32 $0x4000, s31;
	s1 =	sadd.s32 s3, s30  }
0x31: {  	s0 =	sor.u32 s2, s0;
	s1 =	sshll.u32 s1, $0x11  }
0x32: {  	s0 =	sor.u32 s1, s0  }
0x33: {  	s0 =	sadd.s32 $0x8F2B, s0  }
0x34: {  	[sflag:s0] =	ssyncadd.remote.s32 $0x1  }
0x35: {  	_ =	sfence.sel $0xFFFF  }
0x36: {  	[dreg:$0x0] =	wrdreg $0xFFFFFFFF;
	(pc) =	sbr.abs _section_cstart, $3  }
0x37: {  	[dreg:$0x1] =	wrdreg $0xFFFFFFFF  }
0x38: {  	_ =	task.clear_ibuf [dreg:s6], $0x2FFFF;
	_ =	strace $0x9FFFFFFF  }
0x39: {  	(tm) =	ssettm $0x7FFFFFFF  }
tec
execute0_lowered:
.L_overlay_start_1:
0x0: {  	(tag) =	ssettag $0x1  }
0x1: {  	s0 =	stileid.u32;
	s1 =	srdreg.scid  }
0x2: {  	s4 =	rddreg [dreg:$0x0];
	s2 =	sshll.u32 s0, $0x4;
	s1 =	sshll.u32 s1, $0x8  }
0x3: {  	s5 =	simm.s32 $0x1;
	s8 =	simm.s32 $0x2;
	s1 =	sor.u32 s2, s1  }
0x4: {  	s14 =	simm.s32 $0x0;
	s9 =	simm.s32 $0x4000;
	s2 =	sand.u32 $0x180, s1  }
0x5: {  	s15 =	simm.s32 $0x0;
	s16 =	simm.s32 $0x0;
	s3 =	ssub.s32 $0x800, s2  }
0x6: {  	s10 =	simm.s32 $0x0;
	s7 =	sand.u32 $0x7, s0;
	s31 =	sand.u32 $0x180, s3  }
0x7: {  	s13 =	simm.s32 $0x0;
	s12 =	smov.u32 s7;
	p0 =	sne.s32 s31, $0x0  }
.Ltmp0:
0x8: {  	s6 =	sshrl.u32 s3, $0x9;
	s5 =	simm.s32 @!p0 $0x0;
	(pc) =	sbr.rel .LBB1_1-.Ltmp0, $4  }
0x9: {  	s1 =	rddreg [dreg:$0x1];
	_ =	strace $0x80000047;
	s6 =	sadd.s32 s5, s6  }
0xa: {  	s11 =	smov.u32 s2;
	s5 =	simm.s32 $0x1;
	s6 =	smul.u32 $0x14, s6  }
0xb: {  	s3 =	sadd.s32 $0x569800, s4;
	s4 =	sadd.s32 $0x69800, s4;
	[sflag:s5] =	ssyncpa.u1 $0x0  }
0xc: {  	p0 =	por $0x0, $0x0;
	[sflag:s8] =	ssyncpa.u1 $0x0;
	s8 =	sor.u32 $0x1, s6  }
.LBB1_4:
0xd: {  	s16 =	smul.u32 $0x50000, s16  }
0xe: {  	s19 =	sshll.u32 s15, $0x3;
	s20 =	sand.u32 $0x78, s15;
	s30 =	sand.u32 $0x3F00, s15  }
0xf: {  	s14 =	sshll.u32 s14, $0xE;
	s19 =	sand.u32 $0x400, s19;
	s16 =	sadd.s32 s4, s16  }
0x10: {  	[tilespmem:s18+$0x810 ss:$0x81] =	vst.msk $0xffff, v2;
	s31 =	sand.u32 $0x7, s15;
	s19 =	sor.u32 s20, s19;
	s16 =	sadd.s32 s30, s16  }
0x11: {  	[tilespmem:s18+$0x1020 ss:$0x81] =	vst.msk $0xffff, v0;
	s15 =	sshll.u32 s31, $0x12;
	s19 =	sshrl.u32 s19, $0x3;
	s14 =	sadd.s32 s14, s16  }
0x12: {  	[tilespmem:s18+$0x0 ss:$0x81] =	vst.msk $0xffff, v1;
	s15 =	sor.u32 $0x400, s15;
	s14 =	sadd.s32 s19, s14  }
0x13: {  	[hbm4b:s14+s15] =	stream.strided.scatter [tilespmem:s17], [sflag:$0x2], $0x2000, s9, s15, $0x20;
	[tilespmem:$0x8080] =	vst v63  }
.LBB1_5:
0x14: {  	s17 =	sadd.s32 $0x1, s10  }
0x15: {  	s14 =	sadd.s32 $0x200, s11;
	s18 =	smov.u32 s11;
	p2 =	sgt.s32 s17, $0x13  }
0x16: {  	s18 =	smov.u32 @p2 s14  }
0x17: {  	s20 =	smov.u32 s12;
	s14 =	sadd.s32 $0x8, s12;
	p3 =	sgt.s32 s18, $0x7FF  }
0x18: {  	s20 =	smov.u32 @p3 s14  }
0x19: {  	s17 =	simm.s32 @p2 $0x0;
	p2 =	sgt.s32 s20, $0x7  }
0x1a: {  	p1 =	slt.u32 s13, $0x2;
	s20 =	smov.u32 @p2 s7;
	p2 =	sne.s32 s13, s8  }
.Ltmp1:
0x1b: {  	s19 =	simm.s32 @!p1 $0x2;
	(pc) =	sbr.rel @!p2 .LBB1_6-.Ltmp1, $4  }
0x1c: {  	s15 =	smov.u32 s11;
	s16 =	smov.u32 s12;
	_ =	swait.ge @!p1 [sflag:s19], $0x2000  }
0x1d: {  	p0 =	por !p0, !p0;
	[sflag:s19] =	ssyncset.done @!p1 $0x0;
	s18 =	smov.u32 @p3 s2  }
0x1e: {  	s14 =	smov.u32 s10;
	[sflag:s19] =	ssyncadd.s32 @!p1 $0xFFFFE000;
	s10 =	smov.u32 s17  }
0x1f: {  	s11 =	smov.u32 s18;
	s13 =	sadd.s32 $0x1, s13;
	s12 =	smov.u32 s20  }
.LBB1_1:
0x20: {  	p1 =	sge.u32 s13, s6  }
0x21: {  	s17 =	sand.u32 @!p1 $0x1FFFFFF, s10;
	s19 =	smul.u32 @!p1 $0xC0000, s12  }
0x22: {  	s18 =	smulhi.u32 @!p1 $0xAAAAAAB, s17  }
0x23: {  	s21 =	smul.u32 @!p1 $0x180, s11  }
0x24: {  	s18 =	smul.u32 @!p1 $0x18, s18  }
0x25: {  	s31 =	sadd.s32 $0xFFFFFFFF, s13;
	s19 =	sadd.s32 @!p1 s3, s19  }
0x26: {  	s20 =	sxor.u32 @!p1 $0xFFFFFFFF, s13;
	s19 =	sadd.s32 @!p1 s21, s19;
	s17 =	ssub.s32 @!p1 s17, s18  }
0x27: {  	s18 =	sshll.u32 @!p1 s20, $0xD;
	s20 =	simm.s32 @!p1 $0xC00;
	s17 =	sshll.u32 @!p1 s17, $0x4  }
0x28: {  	s18 =	sand.u32 @!p1 $0x2000, s18;
	s17 =	sadd.s32 @!p1 s17, s19;
	s19 =	simm.s32 @!p1 $0x40  }
0x29: {  	[tilespmem:s18], [sflag:$0x1] =	stream.strided.gather @!p1 [hbm4b:s17+s19], $0x2000, s20, s19, $0x38;
	[tilespmem:$0x8080] =	vst v63  }
0x2a: {  	p1 =	sge.u32 s31, s6  }
.Ltmp2:
0x2b: {  	_ = 	snop;
	(pc) =	sbr.rel @p1 .LBB1_5-.Ltmp2, $1  }
0x2c: {  	_ =	sdelay $0x3  }
0x2d: {  	s17 =	simm.s32 $0x1  }
0x2e: {  	_ =	swait.ge [sflag:s5], $0x2000;
	s17 =	simm.s32 @!p0 $0x0  }
0x2f: {  	[sflag:s5] =	ssyncset.done $0x0;
	s18 =	sshll.u32 s17, $0xD  }
0x30: {  	[sflag:s5] =	ssyncadd.s32 $0xFFFFE000;
	s21 =	sor.u32 $0x20, s18  }
0x31: {  	s17 =	smul.u32 $0x8100, s17;
	v3 =	vld [tilespmem:s21+$0x10]  }
0x32: {  	s30 =	sand.u32 $0x1, s13;
	v2 =	vld [tilespmem:s21+$0xFFFFFFF0]  }
0x33: {  	s18 =	smul.u32 $0x8100, s30;
	s17 =	sshrl.u32 s17, $0x2;
	v0 =	vld [tilespmem:s21+$0x0]  }
0x34: {  	v1 =	vld [tilespmem:s21+$0xFFFFFFE0];
	s19 =	sor.u32 $0x4000, s17  }
0x35: {  	s31 =	sshrl.u32 s18, $0x2;
	s18 =	sadd.s32 $0x0, s19  }
0x36: {  	s20 =	simm.s32 $0x4;
	s21 =	sadd.s32 $0x40, s21;
	s17 =	sor.u32 $0x4000, s31;
	[tilespmem:s18+$0x1830 ss:$0x81] =	vst.msk $0xffff, v3  }
.LBB1_3:
0x37: {  	v3 =	vld [tilespmem:s21+$0x10];
	p1 =	sne.s32 s20, $0x1FC;
	[tilespmem:s18+$0x810 ss:$0x81] =	vst.msk $0xffff, v2;
	s22 =	smov.u32 s20;
	s20 =	sadd.s32 $0x4, s20  }
.Ltmp3:
0x38: {  	v2 =	vld [tilespmem:s21+$0xFFFFFFF0];
	[tilespmem:s18+$0x1020 ss:$0x81] =	vst.msk $0xffff, v0;
	(pc) =	sbr.rel @p1 .LBB1_3-.Ltmp3, $4  }
0x39: {  	v0 =	vld [tilespmem:s21+$0x0];
	[tilespmem:s18+$0x0 ss:$0x81] =	vst.msk $0xffff, v1  }
0x3a: {  	s18 =	sshra.s32 s22, $0x2;
	v1 =	vld [tilespmem:s21+$0xFFFFFFE0]  }
0x3b: {  	s18 =	sadd.s32 s18, s19  }
0x3c: {  	s21 =	sadd.s32 $0x40, s21;
	[tilespmem:s18+$0x1830 ss:$0x81] =	vst.msk $0xffff, v3  }
.Ltmp4:
0x3d: {  	_ = 	snop;
	(pc) =	sbr.rel .LBB1_4-.Ltmp4, $1  }
0x3e: {  	_ =	sdelay $0x3  }
.LBB1_6:
0x3f: {  	_ =	sfence.sel $0x180000  }
0x40: {  	s2 =	simm.s32 $0x1;
	[bflag:$0x0] =	sbarrier.arrive $0xFFFF  }
0x41: {  	s31 =	simm.s32 $0x2;
	[sflag:s2] =	ssyncpa.u1 $0x1  }
0x42: {  	[sflag:s31] =	ssyncpa.u1 $0x1  }
0x43: {  	p0 =	sne.s32 s0, $0x0;
	_ =	strace $0x90000047  }
0x44: {  	s0 =	sadd.s32 @!p0 $0x100000, s1;
	[bflag:$0x2] =	sbarrier.arrive $0xFFFF  }
0x45: {  	[sflag:s0] =	ssyncadd.tile.s32 @!p0 $0x1;
	_ =	shalt  }
.Lfunc_end1:
_tile_overlayer_lowered:
.L_overlay_start_2:
0x46: {  	(tag) =	ssettag $0x2  }
0x47: {  	s0 =	rddreg [dreg:$0x0];
	s2 =	stileid.u32  }
0x48: {  	s1 =	rddreg [dreg:$0x1];
	p0 =	sne.s32 s2, $0x0  }
0x49: {  	s3 =	rddreg [dreg:$0x2];
	[bflag:$0x3] =	sbarrier.arrive $0xFFFF;
	s2 =	simm.s32 @!p0 $0x1C01  }
0x4a: {  	[timem:s3], [sflag:s2] =	dma.local @!p0 [hbm:s0], s1  }
0x4b: {  	s0 =	simm.s32 @!p0 $0x1  }
0x4c: {  	_ =	swait.ge @!p0 [sflag:s0], s1  }
0x4d: {  	s1 =	ssub.s32 @!p0 $0x0, s1;
	[sflag:s0] =	ssyncset.done @!p0 $0x0  }
0x4e: {  	[sflag:s0] =	ssyncadd.s32 @!p0 s1  }
0x4f: {  	[bflag:$0x3] =	sbarrier.arrive $0xFFFF  }
0x50: {  	_ =	shalt  }

</sc_bundles>
